<compile_context>
chip_gen: v7x
topology: tpu7x:2x2x1
jax: 0.10.2.dev20260603
libtpu: 0.0.44.dev20260713+nightly
codegen_flags: <defaults>
</compile_context>

<pallas_src>
import functools

import jax
import jax.numpy as jnp
from jax import lax
from jax.experimental import pallas as pl
from jax.experimental.pallas import tpu as pltpu
from jax.experimental.pallas import tpu_sc as plsc

NC, NS = 2, 16
NW = NC * NS
CHUNK_ROWS = 8
NBUF = 4
LANES = 16
UNROLL = 8


def kernel(x, pos_table):
    batch, seq, d = x.shape
    n_rows = batch * seq
    rows_w = n_rows // NW
    nchunk = rows_w // CHUNK_ROWS
    cn = CHUNK_ROWS * d
    w_per_b = seq // rows_w
    xf = x.reshape(-1)
    pf = pos_table[:seq].reshape(-1)
    mesh = plsc.VectorSubcoreMesh(core_axis_name="c", subcore_axis_name="s")

    @functools.partial(
        pl.kernel,
        mesh=mesh,
        out_type=jax.ShapeDtypeStruct((n_rows * d,), jnp.float32),
        scratch_types=[
            pltpu.VMEM((NBUF, cn), jnp.float32),
            pltpu.VMEM((NBUF, cn), jnp.float32),
            pltpu.SemaphoreType.DMA((NBUF,)),
            pltpu.SemaphoreType.DMA((NBUF,)),
            pltpu.SemaphoreType.DMA((NBUF,)),
        ],
    )
    def sc_k(x_hbm, p_hbm, o_hbm, xbuf, pbuf, six, sip, sout):
        wid = lax.axis_index("s") * NC + lax.axis_index("c")
        x0 = wid * (rows_w * d)
        p0 = (wid % w_per_b) * (rows_w * d)

        def issue_in(g, b):
            pltpu.async_copy(x_hbm.at[pl.ds(x0 + g * cn, cn)], xbuf.at[b], six.at[b])

        def wait_in(b):
            pltpu.make_async_copy(
                x_hbm.at[pl.ds(x0, cn)], xbuf.at[b], six.at[b]
            ).wait()

        def wait_out(b):
            pltpu.make_async_copy(
                xbuf.at[b], o_hbm.at[pl.ds(x0, cn)], sout.at[b]
            ).wait()

        issue_in(0, 0)
        issue_in(1, 1)

        @pl.loop(0, nchunk, step=NBUF)
        def _chunks(g):
            for b in range(NBUF):
                gi = g + b
                jb = (b + 2) % NBUF
                jj = gi + 2

                @pl.when(jj < nchunk)
                def _():
                    @pl.when(jj >= NBUF)
                    def _():
                        wait_out(jb)

                    issue_in(jj, jb)

                wait_in(b)

                pltpu.async_copy(
                    xbuf.at[b], o_hbm.at[pl.ds(x0 + gi * cn, cn)], sout.at[b]
                )

        for b in range(NBUF):
            wait_out(b)

    return sc_k(xf, pf).reshape(batch, seq, d)

# --- scband reference (transcript-rebuilt; emitter-appended) ---
"""Pipeline reference for scband-positional-encoding-31782757990752 (READ-ONLY COPY).

The authoritative reference and input builder live on the scoring server;
editing this copy changes nothing except your own understanding.
"""

import jax, jax.numpy as jnp
import numpy as np

D_MODEL = 1024
MAX_LEN = 4096
BATCH = 4
SEQ = 4096

def setup_inputs(seed: int = 0) -> dict:
    key = jax.random.key(seed)
    k1, k2 = jax.random.split(key)
    x = jax.random.normal(k1, (BATCH, SEQ, D_MODEL), dtype=jnp.float32)
    # nn.Embedding default init: N(0, 1)
    pos_table = jax.random.normal(k2, (MAX_LEN, D_MODEL), dtype=jnp.float32)
    return {"x": x, "pos_table": pos_table}

def reference(x, pos_table):
    batch_size, seq_len, d_model = x.shape
    position_ids = jnp.arange(seq_len, dtype=jnp.int32)
    position_ids = jnp.broadcast_to(position_ids[None, :], (batch_size, seq_len))
    position_embeddings = jnp.take(pos_table, position_ids, axis=0)
    return x + position_embeddings

if __name__ == "__main__":
    import jax
    _d = setup_inputs()
    print(jax.jit(kernel)(*tuple(_d.values())))

</pallas_src>

<mosaic_0001>
#map = affine_map<(d0, d1) -> (0)>
module attributes {stable_mosaic.version = 14 : i64} {
  func.func @sc_k(%arg0: i32, %arg1: i32, %arg2: memref<16777216xf32, #tpu.memory_space<hbm>>, %arg3: memref<4194304xf32, #tpu.memory_space<hbm>>, %arg4: memref<16777216xf32, #tpu.memory_space<hbm>>, %arg5: memref<4x8192xf32, #tpu.memory_space<vmem>>, %arg6: memref<4x8192xf32, #tpu.memory_space<vmem>>, %arg7: memref<4x!tpu.dma_semaphore, #tpu.memory_space<semaphore_mem>>, %arg8: memref<4x!tpu.dma_semaphore, #tpu.memory_space<semaphore_mem>>, %arg9: memref<4x!tpu.dma_semaphore, #tpu.memory_space<semaphore_mem>>) attributes {dimension_semantics = [#tpu.dimension_semantics<core_parallel>, #tpu.dimension_semantics<subcore_parallel>], iteration_bounds = array<i64: 2, 16>, scalar_prefetch = 0 : i64, scratch_operands = 5 : i64, tpu.core_type = #tpu.core_type<sc_vector_subcore>, window_params = [{transform_indices = #map}, {transform_indices = #map}, {transform_indices = #map}]} {
    %mul3A = arith.constant 2 : i32
    %mul3A_0 = arith.muli %arg1, %mul3A : i32
    %add3A = arith.addi %mul3A_0, %arg0 : i32
    %mul3A_1 = arith.constant 524288 : i32
    %mul3A_2 = arith.muli %add3A, %mul3A_1 : i32
    %jit3A = arith.constant 8 : i32
    %eq3A = arith.constant 0 : i32
    %eq3A_3 = arith.cmpi eq, %jit3A, %eq3A : i32
    %jit3A_4 = arith.constant 1 : i32
    %select_n3A = arith.select %eq3A_3, %jit3A_4, %jit3A : i32
    %rem3A = arith.remsi %add3A, %select_n3A : i32
    %ne3A = arith.constant 0 : i32
    %ne3A_5 = arith.cmpi ne, %rem3A, %ne3A : i32
    %lt3A = arith.constant 0 : i32
    %lt3A_6 = arith.cmpi slt, %rem3A, %lt3A : i32
    %lt3A_7 = arith.constant 0 : i32
    %lt3A_8 = arith.cmpi slt, %select_n3A, %lt3A_7 : i32
    %ne3A_9 = arith.xori %lt3A_6, %lt3A_8 : i1
    %and3A = arith.andi %ne3A_9, %ne3A_5 : i1
    %add3A_10 = arith.addi %rem3A, %select_n3A : i32
    %select_n3A_11 = arith.select %and3A, %add3A_10, %rem3A : i32
    %mul3A_12 = arith.constant 524288 : i32
    %mul3A_13 = arith.muli %select_n3A_11, %mul3A_12 : i32
    %add3A_14 = arith.constant 0 : i32
    %add3A_15 = arith.addi %mul3A_2, %add3A_14 : i32
    %dma_start3A = arith.constant 0 : i32
    %dma_start3A_16 = arith.constant 0 : i32
    %dma_start3A_17 = arith.constant 0 : i32
    %dma_start3A_18 = tpu.memref_slice %arg5[%dma_start3A, %dma_start3A_17] : memref<4x8192xf32, #tpu.memory_space<vmem>> -> memref<1x8192xf32, #tpu.memory_space<vmem>>
    %dma_start3A_19 = tpu.memref_squeeze %dma_start3A_18 : memref<1x8192xf32, #tpu.memory_space<vmem>> -> memref<8192xf32, #tpu.memory_space<vmem>>
    %dma_start3A_20 = tpu.memref_slice %arg2[%add3A_15] : memref<16777216xf32, #tpu.memory_space<hbm>> -> memref<8192xf32, #tpu.memory_space<hbm>>
    %dma_start3A_21 = tpu.memref_slice %arg7[%dma_start3A_16] : memref<4x!tpu.dma_semaphore, #tpu.memory_space<semaphore_mem>> -> memref<1x!tpu.dma_semaphore, #tpu.memory_space<semaphore_mem>>
    %dma_start3A_22 = tpu.memref_squeeze %dma_start3A_21 : memref<1x!tpu.dma_semaphore, #tpu.memory_space<semaphore_mem>> -> memref<!tpu.dma_semaphore, #tpu.memory_space<semaphore_mem>>
    %dma_start3A_23 = arith.constant 0 : i32
    %dma_start3A_24 = tpu.memref_slice %arg5[%dma_start3A, %dma_start3A_23] : memref<4x8192xf32, #tpu.memory_space<vmem>> -> memref<1x8192xf32, #tpu.memory_space<vmem>>
    %dma_start3A_25 = tpu.memref_squeeze %dma_start3A_24 : memref<1x8192xf32, #tpu.memory_space<vmem>> -> memref<8192xf32, #tpu.memory_space<vmem>>
    %dma_start3A_26 = tpu.memref_slice %arg2[%add3A_15] : memref<16777216xf32, #tpu.memory_space<hbm>> -> memref<8192xf32, #tpu.memory_space<hbm>>
    tpu.enqueue_dma source(%dma_start3A_26 : memref<8192xf32, #tpu.memory_space<hbm>>) target(%dma_start3A_25 : memref<8192xf32, #tpu.memory_space<vmem>>) target_semaphore(%dma_start3A_22 : memref<!tpu.dma_semaphore, #tpu.memory_space<semaphore_mem>>)
    %add3A_27 = arith.constant 8192 : i32
    %add3A_28 = arith.addi %mul3A_2, %add3A_27 : i32
    %dma_start3A_29 = arith.constant 1 : i32
    %dma_start3A_30 = arith.constant 1 : i32
    %dma_start3A_31 = arith.constant 0 : i32
    %dma_start3A_32 = tpu.memref_slice %arg5[%dma_start3A_29, %dma_start3A_31] : memref<4x8192xf32, #tpu.memory_space<vmem>> -> memref<1x8192xf32, #tpu.memory_space<vmem>>
    %dma_start3A_33 = tpu.memref_squeeze %dma_start3A_32 : memref<1x8192xf32, #tpu.memory_space<vmem>> -> memref<8192xf32, #tpu.memory_space<vmem>>
    %dma_start3A_34 = tpu.memref_slice %arg2[%add3A_28] : memref<16777216xf32, #tpu.memory_space<hbm>> -> memref<8192xf32, #tpu.memory_space<hbm>>
    %dma_start3A_35 = tpu.memref_slice %arg7[%dma_start3A_30] : memref<4x!tpu.dma_semaphore, #tpu.memory_space<semaphore_mem>> -> memref<1x!tpu.dma_semaphore, #tpu.memory_space<semaphore_mem>>
    %dma_start3A_36 = tpu.memref_squeeze %dma_start3A_35 : memref<1x!tpu.dma_semaphore, #tpu.memory_space<semaphore_mem>> -> memref<!tpu.dma_semaphore, #tpu.memory_space<semaphore_mem>>
    %dma_start3A_37 = arith.constant 0 : i32
    %dma_start3A_38 = tpu.memref_slice %arg5[%dma_start3A_29, %dma_start3A_37] : memref<4x8192xf32, #tpu.memory_space<vmem>> -> memref<1x8192xf32, #tpu.memory_space<vmem>>
    %dma_start3A_39 = tpu.memref_squeeze %dma_start3A_38 : memref<1x8192xf32, #tpu.memory_space<vmem>> -> memref<8192xf32, #tpu.memory_space<vmem>>
    %dma_start3A_40 = tpu.memref_slice %arg2[%add3A_28] : memref<16777216xf32, #tpu.memory_space<hbm>> -> memref<8192xf32, #tpu.memory_space<hbm>>
    tpu.enqueue_dma source(%dma_start3A_40 : memref<8192xf32, #tpu.memory_space<hbm>>) target(%dma_start3A_39 : memref<8192xf32, #tpu.memory_space<vmem>>) target_semaphore(%dma_start3A_36 : memref<!tpu.dma_semaphore, #tpu.memory_space<semaphore_mem>>)
    %scan3A = arith.constant 0 : i32
    %scan3A_41 = arith.constant 16 : i32
    %scan3A_42 = arith.addi %scan3A, %scan3A_41 : i32
    %scan3A_43 = arith.constant 1 : i32
    scf.for %scan3A_92 = %scan3A to %scan3A_42 step %scan3A_43  : i32 {
      %mul3A_93 = arith.constant 4 : i32
      %mul3A_94 = arith.muli %scan3A_92, %mul3A_93 : i32
      %add3A_95 = arith.constant 0 : i32
      %add3A_96 = arith.addi %add3A_95, %mul3A_94 : i32
      %add3A_97 = arith.constant 0 : i32
      %add3A_98 = arith.addi %add3A_96, %add3A_97 : i32
      %add3A_99 = arith.constant 2 : i32
      %add3A_100 = arith.addi %add3A_98, %add3A_99 : i32
      %lt3A_101 = arith.constant 64 : i32
      %lt3A_102 = arith.cmpi slt, %add3A_100, %lt3A_101 : i32
      %convert_element_type3A = arith.extui %lt3A_102 : i1 to i32
      %cond3A = arith.constant 0 : i32
      %cond3A_103 = arith.cmpi ne, %convert_element_type3A, %cond3A : i32
      scf.if %cond3A_103 {
        %ge3A = arith.constant 4 : i32
        %ge3A_239 = arith.cmpi sge, %add3A_100, %ge3A : i32
        %convert_element_type3A_240 = arith.extui %ge3A_239 : i1 to i32
        %cond3A_241 = arith.constant 0 : i32
        %cond3A_242 = arith.cmpi ne, %convert_element_type3A_240, %cond3A_241 : i32
        scf.if %cond3A_242 {
          %dma_wait3A_258 = arith.constant 2 : i32
          %dma_wait3A_259 = arith.constant 2 : i32
          %dma_wait3A_260 = arith.constant 0 : i32
          %dma_wait3A_261 = tpu.memref_slice %arg5[%dma_wait3A_258, %dma_wait3A_260] : memref<4x8192xf32, #tpu.memory_space<vmem>> -> memref<1x8192xf32, #tpu.memory_space<vmem>>
          %dma_wait3A_262 = tpu.memref_squeeze %dma_wait3A_261 : memref<1x8192xf32, #tpu.memory_space<vmem>> -> memref<8192xf32, #tpu.memory_space<vmem>>
          %dma_wait3A_263 = tpu.memref_slice %arg4[%mul3A_2] : memref<16777216xf32, #tpu.memory_space<hbm>> -> memref<8192xf32, #tpu.memory_space<hbm>>
          %dma_wait3A_264 = tpu.memref_slice %arg9[%dma_wait3A_259] : memref<4x!tpu.dma_semaphore, #tpu.memory_space<semaphore_mem>> -> memref<1x!tpu.dma_semaphore, #tpu.memory_space<semaphore_mem>>
          %dma_wait3A_265 = tpu.memref_squeeze %dma_wait3A_264 : memref<1x!tpu.dma_semaphore, #tpu.memory_space<semaphore_mem>> -> memref<!tpu.dma_semaphore, #tpu.memory_space<semaphore_mem>>
          %dma_wait3A_266 = tpu.memref_slice %arg4[%mul3A_2] : memref<16777216xf32, #tpu.memory_space<hbm>> -> memref<8192xf32, #tpu.memory_space<hbm>>
          %dma_wait3A_267 = arith.constant 0 : i32
          %dma_wait3A_268 = tpu.memref_slice %arg5[%dma_wait3A_258, %dma_wait3A_267] : memref<4x8192xf32, #tpu.memory_space<vmem>> -> memref<1x8192xf32, #tpu.memory_space<vmem>>
          %dma_wait3A_269 = tpu.memref_squeeze %dma_wait3A_268 : memref<1x8192xf32, #tpu.memory_space<vmem>> -> memref<8192xf32, #tpu.memory_space<vmem>>
          tpu.wait_dma2 semaphore(%dma_wait3A_265 : memref<!tpu.dma_semaphore, #tpu.memory_space<semaphore_mem>>) src(%dma_wait3A_269 : memref<8192xf32, #tpu.memory_space<vmem>>) dst(%dma_wait3A_266 : memref<8192xf32, #tpu.memory_space<hbm>>)
        } else {
        }
        %mul3A_243 = arith.constant 8192 : i32
        %mul3A_244 = arith.muli %add3A_100, %mul3A_243 : i32
        %add3A_245 = arith.addi %mul3A_2, %mul3A_244 : i32
        %dma_start3A_246 = arith.constant 2 : i32
        %dma_start3A_247 = arith.constant 2 : i32
        %dma_start3A_248 = arith.constant 0 : i32
        %dma_start3A_249 = tpu.memref_slice %arg5[%dma_start3A_246, %dma_start3A_248] : memref<4x8192xf32, #tpu.memory_space<vmem>> -> memref<1x8192xf32, #tpu.memory_space<vmem>>
        %dma_start3A_250 = tpu.memref_squeeze %dma_start3A_249 : memref<1x8192xf32, #tpu.memory_space<vmem>> -> memref<8192xf32, #tpu.memory_space<vmem>>
        %dma_start3A_251 = tpu.memref_slice %arg2[%add3A_245] : memref<16777216xf32, #tpu.memory_space<hbm>> -> memref<8192xf32, #tpu.memory_space<hbm>>
        %dma_start3A_252 = tpu.memref_slice %arg7[%dma_start3A_247] : memref<4x!tpu.dma_semaphore, #tpu.memory_space<semaphore_mem>> -> memref<1x!tpu.dma_semaphore, #tpu.memory_space<semaphore_mem>>
        %dma_start3A_253 = tpu.memref_squeeze %dma_start3A_252 : memref<1x!tpu.dma_semaphore, #tpu.memory_space<semaphore_mem>> -> memref<!tpu.dma_semaphore, #tpu.memory_space<semaphore_mem>>
        %dma_start3A_254 = arith.constant 0 : i32
        %dma_start3A_255 = tpu.memref_slice %arg5[%dma_start3A_246, %dma_start3A_254] : memref<4x8192xf32, #tpu.memory_space<vmem>> -> memref<1x8192xf32, #tpu.memory_space<vmem>>
        %dma_start3A_256 = tpu.memref_squeeze %dma_start3A_255 : memref<1x8192xf32, #tpu.memory_space<vmem>> -> memref<8192xf32, #tpu.memory_space<vmem>>
        %dma_start3A_257 = tpu.memref_slice %arg2[%add3A_245] : memref<16777216xf32, #tpu.memory_space<hbm>> -> memref<8192xf32, #tpu.memory_space<hbm>>
        tpu.enqueue_dma source(%dma_start3A_257 : memref<8192xf32, #tpu.memory_space<hbm>>) target(%dma_start3A_256 : memref<8192xf32, #tpu.memory_space<vmem>>) target_semaphore(%dma_start3A_253 : memref<!tpu.dma_semaphore, #tpu.memory_space<semaphore_mem>>)
      } else {
      }
      %dma_wait3A_104 = arith.constant 0 : i32
      %dma_wait3A_105 = arith.constant 0 : i32
      %dma_wait3A_106 = arith.constant 0 : i32
      %dma_wait3A_107 = tpu.memref_slice %arg5[%dma_wait3A_104, %dma_wait3A_106] : memref<4x8192xf32, #tpu.memory_space<vmem>> -> memref<1x8192xf32, #tpu.memory_space<vmem>>
      %dma_wait3A_108 = tpu.memref_squeeze %dma_wait3A_107 : memref<1x8192xf32, #tpu.memory_space<vmem>> -> memref<8192xf32, #tpu.memory_space<vmem>>
      %dma_wait3A_109 = tpu.memref_slice %arg2[%mul3A_2] : memref<16777216xf32, #tpu.memory_space<hbm>> -> memref<8192xf32, #tpu.memory_space<hbm>>
      %dma_wait3A_110 = tpu.memref_slice %arg7[%dma_wait3A_105] : memref<4x!tpu.dma_semaphore, #tpu.memory_space<semaphore_mem>> -> memref<1x!tpu.dma_semaphore, #tpu.memory_space<semaphore_mem>>
      %dma_wait3A_111 = tpu.memref_squeeze %dma_wait3A_110 : memref<1x!tpu.dma_semaphore, #tpu.memory_space<semaphore_mem>> -> memref<!tpu.dma_semaphore, #tpu.memory_space<semaphore_mem>>
      %dma_wait3A_112 = arith.constant 0 : i32
      %dma_wait3A_113 = tpu.memref_slice %arg5[%dma_wait3A_104, %dma_wait3A_112] : memref<4x8192xf32, #tpu.memory_space<vmem>> -> memref<1x8192xf32, #tpu.memory_space<vmem>>
      %dma_wait3A_114 = tpu.memref_squeeze %dma_wait3A_113 : memref<1x8192xf32, #tpu.memory_space<vmem>> -> memref<8192xf32, #tpu.memory_space<vmem>>
      %dma_wait3A_115 = tpu.memref_slice %arg2[%mul3A_2] : memref<16777216xf32, #tpu.memory_space<hbm>> -> memref<8192xf32, #tpu.memory_space<hbm>>
      tpu.wait_dma2 semaphore(%dma_wait3A_111 : memref<!tpu.dma_semaphore, #tpu.memory_space<semaphore_mem>>) src(%dma_wait3A_115 : memref<8192xf32, #tpu.memory_space<hbm>>) dst(%dma_wait3A_114 : memref<8192xf32, #tpu.memory_space<vmem>>)
      %mul3A_116 = arith.constant 8192 : i32
      %mul3A_117 = arith.muli %add3A_98, %mul3A_116 : i32
      %add3A_118 = arith.addi %mul3A_2, %mul3A_117 : i32
      %dma_start3A_119 = arith.constant 0 : i32
      %dma_start3A_120 = arith.constant 0 : i32
      %dma_start3A_121 = arith.constant 0 : i32
      %dma_start3A_122 = tpu.memref_slice %arg5[%dma_start3A_119, %dma_start3A_121] : memref<4x8192xf32, #tpu.memory_space<vmem>> -> memref<1x8192xf32, #tpu.memory_space<vmem>>
      %dma_start3A_123 = tpu.memref_squeeze %dma_start3A_122 : memref<1x8192xf32, #tpu.memory_space<vmem>> -> memref<8192xf32, #tpu.memory_space<vmem>>
      %dma_start3A_124 = tpu.memref_slice %arg4[%add3A_118] : memref<16777216xf32, #tpu.memory_space<hbm>> -> memref<8192xf32, #tpu.memory_space<hbm>>
      %dma_start3A_125 = tpu.memref_slice %arg9[%dma_start3A_120] : memref<4x!tpu.dma_semaphore, #tpu.memory_space<semaphore_mem>> -> memref<1x!tpu.dma_semaphore, #tpu.memory_space<semaphore_mem>>
      %dma_start3A_126 = tpu.memref_squeeze %dma_start3A_125 : memref<1x!tpu.dma_semaphore, #tpu.memory_space<semaphore_mem>> -> memref<!tpu.dma_semaphore, #tpu.memory_space<semaphore_mem>>
      %dma_start3A_127 = tpu.memref_slice %arg4[%add3A_118] : memref<16777216xf32, #tpu.memory_space<hbm>> -> memref<8192xf32, #tpu.memory_space<hbm>>
      %dma_start3A_128 = arith.constant 0 : i32
      %dma_start3A_129 = tpu.memref_slice %arg5[%dma_start3A_119, %dma_start3A_128] : memref<4x8192xf32, #tpu.memory_space<vmem>> -> memref<1x8192xf32, #tpu.memory_space<vmem>>
      %dma_start3A_130 = tpu.memref_squeeze %dma_start3A_129 : memref<1x8192xf32, #tpu.memory_space<vmem>> -> memref<8192xf32, #tpu.memory_space<vmem>>
      tpu.enqueue_dma source(%dma_start3A_130 : memref<8192xf32, #tpu.memory_space<vmem>>) target(%dma_start3A_127 : memref<8192xf32, #tpu.memory_space<hbm>>) target_semaphore(%dma_start3A_126 : memref<!tpu.dma_semaphore, #tpu.memory_space<semaphore_mem>>)
      %add3A_131 = arith.constant 1 : i32
      %add3A_132 = arith.addi %add3A_96, %add3A_131 : i32
      %add3A_133 = arith.constant 2 : i32
      %add3A_134 = arith.addi %add3A_132, %add3A_133 : i32
      %lt3A_135 = arith.constant 64 : i32
      %lt3A_136 = arith.cmpi slt, %add3A_134, %lt3A_135 : i32
      %convert_element_type3A_137 = arith.extui %lt3A_136 : i1 to i32
      %cond3A_138 = arith.constant 0 : i32
      %cond3A_139 = arith.cmpi ne, %convert_element_type3A_137, %cond3A_138 : i32
      scf.if %cond3A_139 {
        %ge3A = arith.constant 4 : i32
        %ge3A_239 = arith.cmpi sge, %add3A_134, %ge3A : i32
        %convert_element_type3A_240 = arith.extui %ge3A_239 : i1 to i32
        %cond3A_241 = arith.constant 0 : i32
        %cond3A_242 = arith.cmpi ne, %convert_element_type3A_240, %cond3A_241 : i32
        scf.if %cond3A_242 {
          %dma_wait3A_258 = arith.constant 3 : i32
          %dma_wait3A_259 = arith.constant 3 : i32
          %dma_wait3A_260 = arith.constant 0 : i32
          %dma_wait3A_261 = tpu.memref_slice %arg5[%dma_wait3A_258, %dma_wait3A_260] : memref<4x8192xf32, #tpu.memory_space<vmem>> -> memref<1x8192xf32, #tpu.memory_space<vmem>>
          %dma_wait3A_262 = tpu.memref_squeeze %dma_wait3A_261 : memref<1x8192xf32, #tpu.memory_space<vmem>> -> memref<8192xf32, #tpu.memory_space<vmem>>
          %dma_wait3A_263 = tpu.memref_slice %arg4[%mul3A_2] : memref<16777216xf32, #tpu.memory_space<hbm>> -> memref<8192xf32, #tpu.memory_space<hbm>>
          %dma_wait3A_264 = tpu.memref_slice %arg9[%dma_wait3A_259] : memref<4x!tpu.dma_semaphore, #tpu.memory_space<semaphore_mem>> -> memref<1x!tpu.dma_semaphore, #tpu.memory_space<semaphore_mem>>
          %dma_wait3A_265 = tpu.memref_squeeze %dma_wait3A_264 : memref<1x!tpu.dma_semaphore, #tpu.memory_space<semaphore_mem>> -> memref<!tpu.dma_semaphore, #tpu.memory_space<semaphore_mem>>
          %dma_wait3A_266 = tpu.memref_slice %arg4[%mul3A_2] : memref<16777216xf32, #tpu.memory_space<hbm>> -> memref<8192xf32, #tpu.memory_space<hbm>>
          %dma_wait3A_267 = arith.constant 0 : i32
          %dma_wait3A_268 = tpu.memref_slice %arg5[%dma_wait3A_258, %dma_wait3A_267] : memref<4x8192xf32, #tpu.memory_space<vmem>> -> memref<1x8192xf32, #tpu.memory_space<vmem>>
          %dma_wait3A_269 = tpu.memref_squeeze %dma_wait3A_268 : memref<1x8192xf32, #tpu.memory_space<vmem>> -> memref<8192xf32, #tpu.memory_space<vmem>>
          tpu.wait_dma2 semaphore(%dma_wait3A_265 : memref<!tpu.dma_semaphore, #tpu.memory_space<semaphore_mem>>) src(%dma_wait3A_269 : memref<8192xf32, #tpu.memory_space<vmem>>) dst(%dma_wait3A_266 : memref<8192xf32, #tpu.memory_space<hbm>>)
        } else {
        }
        %mul3A_243 = arith.constant 8192 : i32
        %mul3A_244 = arith.muli %add3A_134, %mul3A_243 : i32
        %add3A_245 = arith.addi %mul3A_2, %mul3A_244 : i32
        %dma_start3A_246 = arith.constant 3 : i32
        %dma_start3A_247 = arith.constant 3 : i32
        %dma_start3A_248 = arith.constant 0 : i32
        %dma_start3A_249 = tpu.memref_slice %arg5[%dma_start3A_246, %dma_start3A_248] : memref<4x8192xf32, #tpu.memory_space<vmem>> -> memref<1x8192xf32, #tpu.memory_space<vmem>>
        %dma_start3A_250 = tpu.memref_squeeze %dma_start3A_249 : memref<1x8192xf32, #tpu.memory_space<vmem>> -> memref<8192xf32, #tpu.memory_space<vmem>>
        %dma_start3A_251 = tpu.memref_slice %arg2[%add3A_245] : memref<16777216xf32, #tpu.memory_space<hbm>> -> memref<8192xf32, #tpu.memory_space<hbm>>
        %dma_start3A_252 = tpu.memref_slice %arg7[%dma_start3A_247] : memref<4x!tpu.dma_semaphore, #tpu.memory_space<semaphore_mem>> -> memref<1x!tpu.dma_semaphore, #tpu.memory_space<semaphore_mem>>
        %dma_start3A_253 = tpu.memref_squeeze %dma_start3A_252 : memref<1x!tpu.dma_semaphore, #tpu.memory_space<semaphore_mem>> -> memref<!tpu.dma_semaphore, #tpu.memory_space<semaphore_mem>>
        %dma_start3A_254 = arith.constant 0 : i32
        %dma_start3A_255 = tpu.memref_slice %arg5[%dma_start3A_246, %dma_start3A_254] : memref<4x8192xf32, #tpu.memory_space<vmem>> -> memref<1x8192xf32, #tpu.memory_space<vmem>>
        %dma_start3A_256 = tpu.memref_squeeze %dma_start3A_255 : memref<1x8192xf32, #tpu.memory_space<vmem>> -> memref<8192xf32, #tpu.memory_space<vmem>>
        %dma_start3A_257 = tpu.memref_slice %arg2[%add3A_245] : memref<16777216xf32, #tpu.memory_space<hbm>> -> memref<8192xf32, #tpu.memory_space<hbm>>
        tpu.enqueue_dma source(%dma_start3A_257 : memref<8192xf32, #tpu.memory_space<hbm>>) target(%dma_start3A_256 : memref<8192xf32, #tpu.memory_space<vmem>>) target_semaphore(%dma_start3A_253 : memref<!tpu.dma_semaphore, #tpu.memory_space<semaphore_mem>>)
      } else {
      }
      %dma_wait3A_140 = arith.constant 1 : i32
      %dma_wait3A_141 = arith.constant 1 : i32
      %dma_wait3A_142 = arith.constant 0 : i32
      %dma_wait3A_143 = tpu.memref_slice %arg5[%dma_wait3A_140, %dma_wait3A_142] : memref<4x8192xf32, #tpu.memory_space<vmem>> -> memref<1x8192xf32, #tpu.memory_space<vmem>>
      %dma_wait3A_144 = tpu.memref_squeeze %dma_wait3A_143 : memref<1x8192xf32, #tpu.memory_space<vmem>> -> memref<8192xf32, #tpu.memory_space<vmem>>
      %dma_wait3A_145 = tpu.memref_slice %arg2[%mul3A_2] : memref<16777216xf32, #tpu.memory_space<hbm>> -> memref<8192xf32, #tpu.memory_space<hbm>>
      %dma_wait3A_146 = tpu.memref_slice %arg7[%dma_wait3A_141] : memref<4x!tpu.dma_semaphore, #tpu.memory_space<semaphore_mem>> -> memref<1x!tpu.dma_semaphore, #tpu.memory_space<semaphore_mem>>
      %dma_wait3A_147 = tpu.memref_squeeze %dma_wait3A_146 : memref<1x!tpu.dma_semaphore, #tpu.memory_space<semaphore_mem>> -> memref<!tpu.dma_semaphore, #tpu.memory_space<semaphore_mem>>
      %dma_wait3A_148 = arith.constant 0 : i32
      %dma_wait3A_149 = tpu.memref_slice %arg5[%dma_wait3A_140, %dma_wait3A_148] : memref<4x8192xf32, #tpu.memory_space<vmem>> -> memref<1x8192xf32, #tpu.memory_space<vmem>>
      %dma_wait3A_150 = tpu.memref_squeeze %dma_wait3A_149 : memref<1x8192xf32, #tpu.memory_space<vmem>> -> memref<8192xf32, #tpu.memory_space<vmem>>
      %dma_wait3A_151 = tpu.memref_slice %arg2[%mul3A_2] : memref<16777216xf32, #tpu.memory_space<hbm>> -> memref<8192xf32, #tpu.memory_space<hbm>>
      tpu.wait_dma2 semaphore(%dma_wait3A_147 : memref<!tpu.dma_semaphore, #tpu.memory_space<semaphore_mem>>) src(%dma_wait3A_151 : memref<8192xf32, #tpu.memory_space<hbm>>) dst(%dma_wait3A_150 : memref<8192xf32, #tpu.memory_space<vmem>>)
      %mul3A_152 = arith.constant 8192 : i32
      %mul3A_153 = arith.muli %add3A_132, %mul3A_152 : i32
      %add3A_154 = arith.addi %mul3A_2, %mul3A_153 : i32
      %dma_start3A_155 = arith.constant 1 : i32
      %dma_start3A_156 = arith.constant 1 : i32
      %dma_start3A_157 = arith.constant 0 : i32
      %dma_start3A_158 = tpu.memref_slice %arg5[%dma_start3A_155, %dma_start3A_157] : memref<4x8192xf32, #tpu.memory_space<vmem>> -> memref<1x8192xf32, #tpu.memory_space<vmem>>
      %dma_start3A_159 = tpu.memref_squeeze %dma_start3A_158 : memref<1x8192xf32, #tpu.memory_space<vmem>> -> memref<8192xf32, #tpu.memory_space<vmem>>
      %dma_start3A_160 = tpu.memref_slice %arg4[%add3A_154] : memref<16777216xf32, #tpu.memory_space<hbm>> -> memref<8192xf32, #tpu.memory_space<hbm>>
      %dma_start3A_161 = tpu.memref_slice %arg9[%dma_start3A_156] : memref<4x!tpu.dma_semaphore, #tpu.memory_space<semaphore_mem>> -> memref<1x!tpu.dma_semaphore, #tpu.memory_space<semaphore_mem>>
      %dma_start3A_162 = tpu.memref_squeeze %dma_start3A_161 : memref<1x!tpu.dma_semaphore, #tpu.memory_space<semaphore_mem>> -> memref<!tpu.dma_semaphore, #tpu.memory_space<semaphore_mem>>
      %dma_start3A_163 = tpu.memref_slice %arg4[%add3A_154] : memref<16777216xf32, #tpu.memory_space<hbm>> -> memref<8192xf32, #tpu.memory_space<hbm>>
      %dma_start3A_164 = arith.constant 0 : i32
      %dma_start3A_165 = tpu.memref_slice %arg5[%dma_start3A_155, %dma_start3A_164] : memref<4x8192xf32, #tpu.memory_space<vmem>> -> memref<1x8192xf32, #tpu.memory_space<vmem>>
      %dma_start3A_166 = tpu.memref_squeeze %dma_start3A_165 : memref<1x8192xf32, #tpu.memory_space<vmem>> -> memref<8192xf32, #tpu.memory_space<vmem>>
      tpu.enqueue_dma source(%dma_start3A_166 : memref<8192xf32, #tpu.memory_space<vmem>>) target(%dma_start3A_163 : memref<8192xf32, #tpu.memory_space<hbm>>) target_semaphore(%dma_start3A_162 : memref<!tpu.dma_semaphore, #tpu.memory_space<semaphore_mem>>)
      %add3A_167 = arith.constant 2 : i32
      %add3A_168 = arith.addi %add3A_96, %add3A_167 : i32
      %add3A_169 = arith.constant 2 : i32
      %add3A_170 = arith.addi %add3A_168, %add3A_169 : i32
      %lt3A_171 = arith.constant 64 : i32
      %lt3A_172 = arith.cmpi slt, %add3A_170, %lt3A_171 : i32
      %convert_element_type3A_173 = arith.extui %lt3A_172 : i1 to i32
      %cond3A_174 = arith.constant 0 : i32
      %cond3A_175 = arith.cmpi ne, %convert_element_type3A_173, %cond3A_174 : i32
      scf.if %cond3A_175 {
        %ge3A = arith.constant 4 : i32
        %ge3A_239 = arith.cmpi sge, %add3A_170, %ge3A : i32
        %convert_element_type3A_240 = arith.extui %ge3A_239 : i1 to i32
        %cond3A_241 = arith.constant 0 : i32
        %cond3A_242 = arith.cmpi ne, %convert_element_type3A_240, %cond3A_241 : i32
        scf.if %cond3A_242 {
          %dma_wait3A_258 = arith.constant 0 : i32
          %dma_wait3A_259 = arith.constant 0 : i32
          %dma_wait3A_260 = arith.constant 0 : i32
          %dma_wait3A_261 = tpu.memref_slice %arg5[%dma_wait3A_258, %dma_wait3A_260] : memref<4x8192xf32, #tpu.memory_space<vmem>> -> memref<1x8192xf32, #tpu.memory_space<vmem>>
          %dma_wait3A_262 = tpu.memref_squeeze %dma_wait3A_261 : memref<1x8192xf32, #tpu.memory_space<vmem>> -> memref<8192xf32, #tpu.memory_space<vmem>>
          %dma_wait3A_263 = tpu.memref_slice %arg4[%mul3A_2] : memref<16777216xf32, #tpu.memory_space<hbm>> -> memref<8192xf32, #tpu.memory_space<hbm>>
          %dma_wait3A_264 = tpu.memref_slice %arg9[%dma_wait3A_259] : memref<4x!tpu.dma_semaphore, #tpu.memory_space<semaphore_mem>> -> memref<1x!tpu.dma_semaphore, #tpu.memory_space<semaphore_mem>>
          %dma_wait3A_265 = tpu.memref_squeeze %dma_wait3A_264 : memref<1x!tpu.dma_semaphore, #tpu.memory_space<semaphore_mem>> -> memref<!tpu.dma_semaphore, #tpu.memory_space<semaphore_mem>>
          %dma_wait3A_266 = tpu.memref_slice %arg4[%mul3A_2] : memref<16777216xf32, #tpu.memory_space<hbm>> -> memref<8192xf32, #tpu.memory_space<hbm>>
          %dma_wait3A_267 = arith.constant 0 : i32
          %dma_wait3A_268 = tpu.memref_slice %arg5[%dma_wait3A_258, %dma_wait3A_267] : memref<4x8192xf32, #tpu.memory_space<vmem>> -> memref<1x8192xf32, #tpu.memory_space<vmem>>
          %dma_wait3A_269 = tpu.memref_squeeze %dma_wait3A_268 : memref<1x8192xf32, #tpu.memory_space<vmem>> -> memref<8192xf32, #tpu.memory_space<vmem>>
          tpu.wait_dma2 semaphore(%dma_wait3A_265 : memref<!tpu.dma_semaphore, #tpu.memory_space<semaphore_mem>>) src(%dma_wait3A_269 : memref<8192xf32, #tpu.memory_space<vmem>>) dst(%dma_wait3A_266 : memref<8192xf32, #tpu.memory_space<hbm>>)
        } else {
        }
        %mul3A_243 = arith.constant 8192 : i32
        %mul3A_244 = arith.muli %add3A_170, %mul3A_243 : i32
        %add3A_245 = arith.addi %mul3A_2, %mul3A_244 : i32
        %dma_start3A_246 = arith.constant 0 : i32
        %dma_start3A_247 = arith.constant 0 : i32
        %dma_start3A_248 = arith.constant 0 : i32
        %dma_start3A_249 = tpu.memref_slice %arg5[%dma_start3A_246, %dma_start3A_248] : memref<4x8192xf32, #tpu.memory_space<vmem>> -> memref<1x8192xf32, #tpu.memory_space<vmem>>
        %dma_start3A_250 = tpu.memref_squeeze %dma_start3A_249 : memref<1x8192xf32, #tpu.memory_space<vmem>> -> memref<8192xf32, #tpu.memory_space<vmem>>
        %dma_start3A_251 = tpu.memref_slice %arg2[%add3A_245] : memref<16777216xf32, #tpu.memory_space<hbm>> -> memref<8192xf32, #tpu.memory_space<hbm>>
        %dma_start3A_252 = tpu.memref_slice %arg7[%dma_start3A_247] : memref<4x!tpu.dma_semaphore, #tpu.memory_space<semaphore_mem>> -> memref<1x!tpu.dma_semaphore, #tpu.memory_space<semaphore_mem>>
        %dma_start3A_253 = tpu.memref_squeeze %dma_start3A_252 : memref<1x!tpu.dma_semaphore, #tpu.memory_space<semaphore_mem>> -> memref<!tpu.dma_semaphore, #tpu.memory_space<semaphore_mem>>
        %dma_start3A_254 = arith.constant 0 : i32
        %dma_start3A_255 = tpu.memref_slice %arg5[%dma_start3A_246, %dma_start3A_254] : memref<4x8192xf32, #tpu.memory_space<vmem>> -> memref<1x8192xf32, #tpu.memory_space<vmem>>
        %dma_start3A_256 = tpu.memref_squeeze %dma_start3A_255 : memref<1x8192xf32, #tpu.memory_space<vmem>> -> memref<8192xf32, #tpu.memory_space<vmem>>
        %dma_start3A_257 = tpu.memref_slice %arg2[%add3A_245] : memref<16777216xf32, #tpu.memory_space<hbm>> -> memref<8192xf32, #tpu.memory_space<hbm>>
        tpu.enqueue_dma source(%dma_start3A_257 : memref<8192xf32, #tpu.memory_space<hbm>>) target(%dma_start3A_256 : memref<8192xf32, #tpu.memory_space<vmem>>) target_semaphore(%dma_start3A_253 : memref<!tpu.dma_semaphore, #tpu.memory_space<semaphore_mem>>)
      } else {
      }
      %dma_wait3A_176 = arith.constant 2 : i32
      %dma_wait3A_177 = arith.constant 2 : i32
      %dma_wait3A_178 = arith.constant 0 : i32
      %dma_wait3A_179 = tpu.memref_slice %arg5[%dma_wait3A_176, %dma_wait3A_178] : memref<4x8192xf32, #tpu.memory_space<vmem>> -> memref<1x8192xf32, #tpu.memory_space<vmem>>
      %dma_wait3A_180 = tpu.memref_squeeze %dma_wait3A_179 : memref<1x8192xf32, #tpu.memory_space<vmem>> -> memref<8192xf32, #tpu.memory_space<vmem>>
      %dma_wait3A_181 = tpu.memref_slice %arg2[%mul3A_2] : memref<16777216xf32, #tpu.memory_space<hbm>> -> memref<8192xf32, #tpu.memory_space<hbm>>
      %dma_wait3A_182 = tpu.memref_slice %arg7[%dma_wait3A_177] : memref<4x!tpu.dma_semaphore, #tpu.memory_space<semaphore_mem>> -> memref<1x!tpu.dma_semaphore, #tpu.memory_space<semaphore_mem>>
      %dma_wait3A_183 = tpu.memref_squeeze %dma_wait3A_182 : memref<1x!tpu.dma_semaphore, #tpu.memory_space<semaphore_mem>> -> memref<!tpu.dma_semaphore, #tpu.memory_space<semaphore_mem>>
      %dma_wait3A_184 = arith.constant 0 : i32
      %dma_wait3A_185 = tpu.memref_slice %arg5[%dma_wait3A_176, %dma_wait3A_184] : memref<4x8192xf32, #tpu.memory_space<vmem>> -> memref<1x8192xf32, #tpu.memory_space<vmem>>
      %dma_wait3A_186 = tpu.memref_squeeze %dma_wait3A_185 : memref<1x8192xf32, #tpu.memory_space<vmem>> -> memref<8192xf32, #tpu.memory_space<vmem>>
      %dma_wait3A_187 = tpu.memref_slice %arg2[%mul3A_2] : memref<16777216xf32, #tpu.memory_space<hbm>> -> memref<8192xf32, #tpu.memory_space<hbm>>
      tpu.wait_dma2 semaphore(%dma_wait3A_183 : memref<!tpu.dma_semaphore, #tpu.memory_space<semaphore_mem>>) src(%dma_wait3A_187 : memref<8192xf32, #tpu.memory_space<hbm>>) dst(%dma_wait3A_186 : memref<8192xf32, #tpu.memory_space<vmem>>)
      %mul3A_188 = arith.constant 8192 : i32
      %mul3A_189 = arith.muli %add3A_168, %mul3A_188 : i32
      %add3A_190 = arith.addi %mul3A_2, %mul3A_189 : i32
      %dma_start3A_191 = arith.constant 2 : i32
      %dma_start3A_192 = arith.constant 2 : i32
      %dma_start3A_193 = arith.constant 0 : i32
      %dma_start3A_194 = tpu.memref_slice %arg5[%dma_start3A_191, %dma_start3A_193] : memref<4x8192xf32, #tpu.memory_space<vmem>> -> memref<1x8192xf32, #tpu.memory_space<vmem>>
      %dma_start3A_195 = tpu.memref_squeeze %dma_start3A_194 : memref<1x8192xf32, #tpu.memory_space<vmem>> -> memref<8192xf32, #tpu.memory_space<vmem>>
      %dma_start3A_196 = tpu.memref_slice %arg4[%add3A_190] : memref<16777216xf32, #tpu.memory_space<hbm>> -> memref<8192xf32, #tpu.memory_space<hbm>>
      %dma_start3A_197 = tpu.memref_slice %arg9[%dma_start3A_192] : memref<4x!tpu.dma_semaphore, #tpu.memory_space<semaphore_mem>> -> memref<1x!tpu.dma_semaphore, #tpu.memory_space<semaphore_mem>>
      %dma_start3A_198 = tpu.memref_squeeze %dma_start3A_197 : memref<1x!tpu.dma_semaphore, #tpu.memory_space<semaphore_mem>> -> memref<!tpu.dma_semaphore, #tpu.memory_space<semaphore_mem>>
      %dma_start3A_199 = tpu.memref_slice %arg4[%add3A_190] : memref<16777216xf32, #tpu.memory_space<hbm>> -> memref<8192xf32, #tpu.memory_space<hbm>>
      %dma_start3A_200 = arith.constant 0 : i32
      %dma_start3A_201 = tpu.memref_slice %arg5[%dma_start3A_191, %dma_start3A_200] : memref<4x8192xf32, #tpu.memory_space<vmem>> -> memref<1x8192xf32, #tpu.memory_space<vmem>>
      %dma_start3A_202 = tpu.memref_squeeze %dma_start3A_201 : memref<1x8192xf32, #tpu.memory_space<vmem>> -> memref<8192xf32, #tpu.memory_space<vmem>>
      tpu.enqueue_dma source(%dma_start3A_202 : memref<8192xf32, #tpu.memory_space<vmem>>) target(%dma_start3A_199 : memref<8192xf32, #tpu.memory_space<hbm>>) target_semaphore(%dma_start3A_198 : memref<!tpu.dma_semaphore, #tpu.memory_space<semaphore_mem>>)
      %add3A_203 = arith.constant 3 : i32
      %add3A_204 = arith.addi %add3A_96, %add3A_203 : i32
      %add3A_205 = arith.constant 2 : i32
      %add3A_206 = arith.addi %add3A_204, %add3A_205 : i32
      %lt3A_207 = arith.constant 64 : i32
      %lt3A_208 = arith.cmpi slt, %add3A_206, %lt3A_207 : i32
      %convert_element_type3A_209 = arith.extui %lt3A_208 : i1 to i32
      %cond3A_210 = arith.constant 0 : i32
      %cond3A_211 = arith.cmpi ne, %convert_element_type3A_209, %cond3A_210 : i32
      scf.if %cond3A_211 {
        %ge3A = arith.constant 4 : i32
        %ge3A_239 = arith.cmpi sge, %add3A_206, %ge3A : i32
        %convert_element_type3A_240 = arith.extui %ge3A_239 : i1 to i32
        %cond3A_241 = arith.constant 0 : i32
        %cond3A_242 = arith.cmpi ne, %convert_element_type3A_240, %cond3A_241 : i32
        scf.if %cond3A_242 {
          %dma_wait3A_258 = arith.constant 1 : i32
          %dma_wait3A_259 = arith.constant 1 : i32
          %dma_wait3A_260 = arith.constant 0 : i32
          %dma_wait3A_261 = tpu.memref_slice %arg5[%dma_wait3A_258, %dma_wait3A_260] : memref<4x8192xf32, #tpu.memory_space<vmem>> -> memref<1x8192xf32, #tpu.memory_space<vmem>>
          %dma_wait3A_262 = tpu.memref_squeeze %dma_wait3A_261 : memref<1x8192xf32, #tpu.memory_space<vmem>> -> memref<8192xf32, #tpu.memory_space<vmem>>
          %dma_wait3A_263 = tpu.memref_slice %arg4[%mul3A_2] : memref<16777216xf32, #tpu.memory_space<hbm>> -> memref<8192xf32, #tpu.memory_space<hbm>>
          %dma_wait3A_264 = tpu.memref_slice %arg9[%dma_wait3A_259] : memref<4x!tpu.dma_semaphore, #tpu.memory_space<semaphore_mem>> -> memref<1x!tpu.dma_semaphore, #tpu.memory_space<semaphore_mem>>
          %dma_wait3A_265 = tpu.memref_squeeze %dma_wait3A_264 : memref<1x!tpu.dma_semaphore, #tpu.memory_space<semaphore_mem>> -> memref<!tpu.dma_semaphore, #tpu.memory_space<semaphore_mem>>
          %dma_wait3A_266 = tpu.memref_slice %arg4[%mul3A_2] : memref<16777216xf32, #tpu.memory_space<hbm>> -> memref<8192xf32, #tpu.memory_space<hbm>>
          %dma_wait3A_267 = arith.constant 0 : i32
          %dma_wait3A_268 = tpu.memref_slice %arg5[%dma_wait3A_258, %dma_wait3A_267] : memref<4x8192xf32, #tpu.memory_space<vmem>> -> memref<1x8192xf32, #tpu.memory_space<vmem>>
          %dma_wait3A_269 = tpu.memref_squeeze %dma_wait3A_268 : memref<1x8192xf32, #tpu.memory_space<vmem>> -> memref<8192xf32, #tpu.memory_space<vmem>>
          tpu.wait_dma2 semaphore(%dma_wait3A_265 : memref<!tpu.dma_semaphore, #tpu.memory_space<semaphore_mem>>) src(%dma_wait3A_269 : memref<8192xf32, #tpu.memory_space<vmem>>) dst(%dma_wait3A_266 : memref<8192xf32, #tpu.memory_space<hbm>>)
        } else {
        }
        %mul3A_243 = arith.constant 8192 : i32
        %mul3A_244 = arith.muli %add3A_206, %mul3A_243 : i32
        %add3A_245 = arith.addi %mul3A_2, %mul3A_244 : i32
        %dma_start3A_246 = arith.constant 1 : i32
        %dma_start3A_247 = arith.constant 1 : i32
        %dma_start3A_248 = arith.constant 0 : i32
        %dma_start3A_249 = tpu.memref_slice %arg5[%dma_start3A_246, %dma_start3A_248] : memref<4x8192xf32, #tpu.memory_space<vmem>> -> memref<1x8192xf32, #tpu.memory_space<vmem>>
        %dma_start3A_250 = tpu.memref_squeeze %dma_start3A_249 : memref<1x8192xf32, #tpu.memory_space<vmem>> -> memref<8192xf32, #tpu.memory_space<vmem>>
        %dma_start3A_251 = tpu.memref_slice %arg2[%add3A_245] : memref<16777216xf32, #tpu.memory_space<hbm>> -> memref<8192xf32, #tpu.memory_space<hbm>>
        %dma_start3A_252 = tpu.memref_slice %arg7[%dma_start3A_247] : memref<4x!tpu.dma_semaphore, #tpu.memory_space<semaphore_mem>> -> memref<1x!tpu.dma_semaphore, #tpu.memory_space<semaphore_mem>>
        %dma_start3A_253 = tpu.memref_squeeze %dma_start3A_252 : memref<1x!tpu.dma_semaphore, #tpu.memory_space<semaphore_mem>> -> memref<!tpu.dma_semaphore, #tpu.memory_space<semaphore_mem>>
        %dma_start3A_254 = arith.constant 0 : i32
        %dma_start3A_255 = tpu.memref_slice %arg5[%dma_start3A_246, %dma_start3A_254] : memref<4x8192xf32, #tpu.memory_space<vmem>> -> memref<1x8192xf32, #tpu.memory_space<vmem>>
        %dma_start3A_256 = tpu.memref_squeeze %dma_start3A_255 : memref<1x8192xf32, #tpu.memory_space<vmem>> -> memref<8192xf32, #tpu.memory_space<vmem>>
        %dma_start3A_257 = tpu.memref_slice %arg2[%add3A_245] : memref<16777216xf32, #tpu.memory_space<hbm>> -> memref<8192xf32, #tpu.memory_space<hbm>>
        tpu.enqueue_dma source(%dma_start3A_257 : memref<8192xf32, #tpu.memory_space<hbm>>) target(%dma_start3A_256 : memref<8192xf32, #tpu.memory_space<vmem>>) target_semaphore(%dma_start3A_253 : memref<!tpu.dma_semaphore, #tpu.memory_space<semaphore_mem>>)
      } else {
      }
      %dma_wait3A_212 = arith.constant 3 : i32
      %dma_wait3A_213 = arith.constant 3 : i32
      %dma_wait3A_214 = arith.constant 0 : i32
      %dma_wait3A_215 = tpu.memref_slice %arg5[%dma_wait3A_212, %dma_wait3A_214] : memref<4x8192xf32, #tpu.memory_space<vmem>> -> memref<1x8192xf32, #tpu.memory_space<vmem>>
      %dma_wait3A_216 = tpu.memref_squeeze %dma_wait3A_215 : memref<1x8192xf32, #tpu.memory_space<vmem>> -> memref<8192xf32, #tpu.memory_space<vmem>>
      %dma_wait3A_217 = tpu.memref_slice %arg2[%mul3A_2] : memref<16777216xf32, #tpu.memory_space<hbm>> -> memref<8192xf32, #tpu.memory_space<hbm>>
      %dma_wait3A_218 = tpu.memref_slice %arg7[%dma_wait3A_213] : memref<4x!tpu.dma_semaphore, #tpu.memory_space<semaphore_mem>> -> memref<1x!tpu.dma_semaphore, #tpu.memory_space<semaphore_mem>>
      %dma_wait3A_219 = tpu.memref_squeeze %dma_wait3A_218 : memref<1x!tpu.dma_semaphore, #tpu.memory_space<semaphore_mem>> -> memref<!tpu.dma_semaphore, #tpu.memory_space<semaphore_mem>>
      %dma_wait3A_220 = arith.constant 0 : i32
      %dma_wait3A_221 = tpu.memref_slice %arg5[%dma_wait3A_212, %dma_wait3A_220] : memref<4x8192xf32, #tpu.memory_space<vmem>> -> memref<1x8192xf32, #tpu.memory_space<vmem>>
      %dma_wait3A_222 = tpu.memref_squeeze %dma_wait3A_221 : memref<1x8192xf32, #tpu.memory_space<vmem>> -> memref<8192xf32, #tpu.memory_space<vmem>>
      %dma_wait3A_223 = tpu.memref_slice %arg2[%mul3A_2] : memref<16777216xf32, #tpu.memory_space<hbm>> -> memref<8192xf32, #tpu.memory_space<hbm>>
      tpu.wait_dma2 semaphore(%dma_wait3A_219 : memref<!tpu.dma_semaphore, #tpu.memory_space<semaphore_mem>>) src(%dma_wait3A_223 : memref<8192xf32, #tpu.memory_space<hbm>>) dst(%dma_wait3A_222 : memref<8192xf32, #tpu.memory_space<vmem>>)
      %mul3A_224 = arith.constant 8192 : i32
      %mul3A_225 = arith.muli %add3A_204, %mul3A_224 : i32
      %add3A_226 = arith.addi %mul3A_2, %mul3A_225 : i32
      %dma_start3A_227 = arith.constant 3 : i32
      %dma_start3A_228 = arith.constant 3 : i32
      %dma_start3A_229 = arith.constant 0 : i32
      %dma_start3A_230 = tpu.memref_slice %arg5[%dma_start3A_227, %dma_start3A_229] : memref<4x8192xf32, #tpu.memory_space<vmem>> -> memref<1x8192xf32, #tpu.memory_space<vmem>>
      %dma_start3A_231 = tpu.memref_squeeze %dma_start3A_230 : memref<1x8192xf32, #tpu.memory_space<vmem>> -> memref<8192xf32, #tpu.memory_space<vmem>>
      %dma_start3A_232 = tpu.memref_slice %arg4[%add3A_226] : memref<16777216xf32, #tpu.memory_space<hbm>> -> memref<8192xf32, #tpu.memory_space<hbm>>
      %dma_start3A_233 = tpu.memref_slice %arg9[%dma_start3A_228] : memref<4x!tpu.dma_semaphore, #tpu.memory_space<semaphore_mem>> -> memref<1x!tpu.dma_semaphore, #tpu.memory_space<semaphore_mem>>
      %dma_start3A_234 = tpu.memref_squeeze %dma_start3A_233 : memref<1x!tpu.dma_semaphore, #tpu.memory_space<semaphore_mem>> -> memref<!tpu.dma_semaphore, #tpu.memory_space<semaphore_mem>>
      %dma_start3A_235 = tpu.memref_slice %arg4[%add3A_226] : memref<16777216xf32, #tpu.memory_space<hbm>> -> memref<8192xf32, #tpu.memory_space<hbm>>
      %dma_start3A_236 = arith.constant 0 : i32
      %dma_start3A_237 = tpu.memref_slice %arg5[%dma_start3A_227, %dma_start3A_236] : memref<4x8192xf32, #tpu.memory_space<vmem>> -> memref<1x8192xf32, #tpu.memory_space<vmem>>
      %dma_start3A_238 = tpu.memref_squeeze %dma_start3A_237 : memref<1x8192xf32, #tpu.memory_space<vmem>> -> memref<8192xf32, #tpu.memory_space<vmem>>
      tpu.enqueue_dma source(%dma_start3A_238 : memref<8192xf32, #tpu.memory_space<vmem>>) target(%dma_start3A_235 : memref<8192xf32, #tpu.memory_space<hbm>>) target_semaphore(%dma_start3A_234 : memref<!tpu.dma_semaphore, #tpu.memory_space<semaphore_mem>>)
    }
    %scan3A_44 = arith.constant 16 : i32
    %dma_wait3A = arith.constant 0 : i32
    %dma_wait3A_45 = arith.constant 0 : i32
    %dma_wait3A_46 = arith.constant 0 : i32
    %dma_wait3A_47 = tpu.memref_slice %arg5[%dma_wait3A, %dma_wait3A_46] : memref<4x8192xf32, #tpu.memory_space<vmem>> -> memref<1x8192xf32, #tpu.memory_space<vmem>>
    %dma_wait3A_48 = tpu.memref_squeeze %dma_wait3A_47 : memref<1x8192xf32, #tpu.memory_space<vmem>> -> memref<8192xf32, #tpu.memory_space<vmem>>
    %dma_wait3A_49 = tpu.memref_slice %arg4[%mul3A_2] : memref<16777216xf32, #tpu.memory_space<hbm>> -> memref<8192xf32, #tpu.memory_space<hbm>>
    %dma_wait3A_50 = tpu.memref_slice %arg9[%dma_wait3A_45] : memref<4x!tpu.dma_semaphore, #tpu.memory_space<semaphore_mem>> -> memref<1x!tpu.dma_semaphore, #tpu.memory_space<semaphore_mem>>
    %dma_wait3A_51 = tpu.memref_squeeze %dma_wait3A_50 : memref<1x!tpu.dma_semaphore, #tpu.memory_space<semaphore_mem>> -> memref<!tpu.dma_semaphore, #tpu.memory_space<semaphore_mem>>
    %dma_wait3A_52 = tpu.memref_slice %arg4[%mul3A_2] : memref<16777216xf32, #tpu.memory_space<hbm>> -> memref<8192xf32, #tpu.memory_space<hbm>>
    %dma_wait3A_53 = arith.constant 0 : i32
    %dma_wait3A_54 = tpu.memref_slice %arg5[%dma_wait3A, %dma_wait3A_53] : memref<4x8192xf32, #tpu.memory_space<vmem>> -> memref<1x8192xf32, #tpu.memory_space<vmem>>
    %dma_wait3A_55 = tpu.memref_squeeze %dma_wait3A_54 : memref<1x8192xf32, #tpu.memory_space<vmem>> -> memref<8192xf32, #tpu.memory_space<vmem>>
    tpu.wait_dma2 semaphore(%dma_wait3A_51 : memref<!tpu.dma_semaphore, #tpu.memory_space<semaphore_mem>>) src(%dma_wait3A_55 : memref<8192xf32, #tpu.memory_space<vmem>>) dst(%dma_wait3A_52 : memref<8192xf32, #tpu.memory_space<hbm>>)
    %dma_wait3A_56 = arith.constant 1 : i32
    %dma_wait3A_57 = arith.constant 1 : i32
    %dma_wait3A_58 = arith.constant 0 : i32
    %dma_wait3A_59 = tpu.memref_slice %arg5[%dma_wait3A_56, %dma_wait3A_58] : memref<4x8192xf32, #tpu.memory_space<vmem>> -> memref<1x8192xf32, #tpu.memory_space<vmem>>
    %dma_wait3A_60 = tpu.memref_squeeze %dma_wait3A_59 : memref<1x8192xf32, #tpu.memory_space<vmem>> -> memref<8192xf32, #tpu.memory_space<vmem>>
    %dma_wait3A_61 = tpu.memref_slice %arg4[%mul3A_2] : memref<16777216xf32, #tpu.memory_space<hbm>> -> memref<8192xf32, #tpu.memory_space<hbm>>
    %dma_wait3A_62 = tpu.memref_slice %arg9[%dma_wait3A_57] : memref<4x!tpu.dma_semaphore, #tpu.memory_space<semaphore_mem>> -> memref<1x!tpu.dma_semaphore, #tpu.memory_space<semaphore_mem>>
    %dma_wait3A_63 = tpu.memref_squeeze %dma_wait3A_62 : memref<1x!tpu.dma_semaphore, #tpu.memory_space<semaphore_mem>> -> memref<!tpu.dma_semaphore, #tpu.memory_space<semaphore_mem>>
    %dma_wait3A_64 = tpu.memref_slice %arg4[%mul3A_2] : memref<16777216xf32, #tpu.memory_space<hbm>> -> memref<8192xf32, #tpu.memory_space<hbm>>
    %dma_wait3A_65 = arith.constant 0 : i32
    %dma_wait3A_66 = tpu.memref_slice %arg5[%dma_wait3A_56, %dma_wait3A_65] : memref<4x8192xf32, #tpu.memory_space<vmem>> -> memref<1x8192xf32, #tpu.memory_space<vmem>>
    %dma_wait3A_67 = tpu.memref_squeeze %dma_wait3A_66 : memref<1x8192xf32, #tpu.memory_space<vmem>> -> memref<8192xf32, #tpu.memory_space<vmem>>
    tpu.wait_dma2 semaphore(%dma_wait3A_63 : memref<!tpu.dma_semaphore, #tpu.memory_space<semaphore_mem>>) src(%dma_wait3A_67 : memref<8192xf32, #tpu.memory_space<vmem>>) dst(%dma_wait3A_64 : memref<8192xf32, #tpu.memory_space<hbm>>)
    %dma_wait3A_68 = arith.constant 2 : i32
    %dma_wait3A_69 = arith.constant 2 : i32
    %dma_wait3A_70 = arith.constant 0 : i32
    %dma_wait3A_71 = tpu.memref_slice %arg5[%dma_wait3A_68, %dma_wait3A_70] : memref<4x8192xf32, #tpu.memory_space<vmem>> -> memref<1x8192xf32, #tpu.memory_space<vmem>>
    %dma_wait3A_72 = tpu.memref_squeeze %dma_wait3A_71 : memref<1x8192xf32, #tpu.memory_space<vmem>> -> memref<8192xf32, #tpu.memory_space<vmem>>
    %dma_wait3A_73 = tpu.memref_slice %arg4[%mul3A_2] : memref<16777216xf32, #tpu.memory_space<hbm>> -> memref<8192xf32, #tpu.memory_space<hbm>>
    %dma_wait3A_74 = tpu.memref_slice %arg9[%dma_wait3A_69] : memref<4x!tpu.dma_semaphore, #tpu.memory_space<semaphore_mem>> -> memref<1x!tpu.dma_semaphore, #tpu.memory_space<semaphore_mem>>
    %dma_wait3A_75 = tpu.memref_squeeze %dma_wait3A_74 : memref<1x!tpu.dma_semaphore, #tpu.memory_space<semaphore_mem>> -> memref<!tpu.dma_semaphore, #tpu.memory_space<semaphore_mem>>
    %dma_wait3A_76 = tpu.memref_slice %arg4[%mul3A_2] : memref<16777216xf32, #tpu.memory_space<hbm>> -> memref<8192xf32, #tpu.memory_space<hbm>>
    %dma_wait3A_77 = arith.constant 0 : i32
    %dma_wait3A_78 = tpu.memref_slice %arg5[%dma_wait3A_68, %dma_wait3A_77] : memref<4x8192xf32, #tpu.memory_space<vmem>> -> memref<1x8192xf32, #tpu.memory_space<vmem>>
    %dma_wait3A_79 = tpu.memref_squeeze %dma_wait3A_78 : memref<1x8192xf32, #tpu.memory_space<vmem>> -> memref<8192xf32, #tpu.memory_space<vmem>>
    tpu.wait_dma2 semaphore(%dma_wait3A_75 : memref<!tpu.dma_semaphore, #tpu.memory_space<semaphore_mem>>) src(%dma_wait3A_79 : memref<8192xf32, #tpu.memory_space<vmem>>) dst(%dma_wait3A_76 : memref<8192xf32, #tpu.memory_space<hbm>>)
    %dma_wait3A_80 = arith.constant 3 : i32
    %dma_wait3A_81 = arith.constant 3 : i32
    %dma_wait3A_82 = arith.constant 0 : i32
    %dma_wait3A_83 = tpu.memref_slice %arg5[%dma_wait3A_80, %dma_wait3A_82] : memref<4x8192xf32, #tpu.memory_space<vmem>> -> memref<1x8192xf32, #tpu.memory_space<vmem>>
    %dma_wait3A_84 = tpu.memref_squeeze %dma_wait3A_83 : memref<1x8192xf32, #tpu.memory_space<vmem>> -> memref<8192xf32, #tpu.memory_space<vmem>>
    %dma_wait3A_85 = tpu.memref_slice %arg4[%mul3A_2] : memref<16777216xf32, #tpu.memory_space<hbm>> -> memref<8192xf32, #tpu.memory_space<hbm>>
    %dma_wait3A_86 = tpu.memref_slice %arg9[%dma_wait3A_81] : memref<4x!tpu.dma_semaphore, #tpu.memory_space<semaphore_mem>> -> memref<1x!tpu.dma_semaphore, #tpu.memory_space<semaphore_mem>>
    %dma_wait3A_87 = tpu.memref_squeeze %dma_wait3A_86 : memref<1x!tpu.dma_semaphore, #tpu.memory_space<semaphore_mem>> -> memref<!tpu.dma_semaphore, #tpu.memory_space<semaphore_mem>>
    %dma_wait3A_88 = tpu.memref_slice %arg4[%mul3A_2] : memref<16777216xf32, #tpu.memory_space<hbm>> -> memref<8192xf32, #tpu.memory_space<hbm>>
    %dma_wait3A_89 = arith.constant 0 : i32
    %dma_wait3A_90 = tpu.memref_slice %arg5[%dma_wait3A_80, %dma_wait3A_89] : memref<4x8192xf32, #tpu.memory_space<vmem>> -> memref<1x8192xf32, #tpu.memory_space<vmem>>
    %dma_wait3A_91 = tpu.memref_squeeze %dma_wait3A_90 : memref<1x8192xf32, #tpu.memory_space<vmem>> -> memref<8192xf32, #tpu.memory_space<vmem>>
    tpu.wait_dma2 semaphore(%dma_wait3A_87 : memref<!tpu.dma_semaphore, #tpu.memory_space<semaphore_mem>>) src(%dma_wait3A_91 : memref<8192xf32, #tpu.memory_space<vmem>>) dst(%dma_wait3A_88 : memref<8192xf32, #tpu.memory_space<hbm>>)
    return
  }
}

</mosaic_0001>

<sc_bundles>
// kernel: kernel.3.cloned.1.call-start
scs
__scs_entry_jumppad:
0x0: {  	(pc) =	sbr.rel $0x88, $3  }
0x1: {  	(tag) =	ssettag $0x0;
	lr =	simm.s32 $0x1  }
0x2: {  	[smem:$0x3F9F] =	sst lr;
	_ =	strace $0xD0000000  }
0x3: {  	_ = 	snop  }
0x4: {  	_ = 	snop  }
0x5: {  	_ = 	snop  }
0x6: {  	_ = 	snop  }
0x7: {  	_ = 	snop  }
__scs_overlays_trampoline_lowered:
0x8: {  	[smem:$0x3FAE] =	sst s0  }
0x9: {  	[smem:$0x3FAF] =	sst s1  }
0xa: {  	[smem:$0x3FB0] =	sst s2  }
0xb: {  	[smem:$0x3FB1] =	sst s3  }
0xc: {  	[smem:$0x3FB2] =	sst s4  }
0xd: {  	[smem:$0x3FB3] =	sst s5  }
0xe: {  	[smem:$0x3FB4] =	sst s6  }
0xf: {  	[smem:$0x3FB5] =	sst s7  }
0x10: {  	[smem:$0x3FB6] =	sst s8  }
0x11: {  	[smem:$0x3FB7] =	sst s9;
	s0 =	simm.s32 @!p0 $0x0  }
0x12: {  	s1 =	sld [smem:$0x3F9D];
	s0 =	simm.s32 @p0 $0x1  }
0x13: {  	[smem:$0x3FB8] =	sst s0;
	s0 =	simm.s32 @!p1 $0x0  }
0x14: {  	s2 =	sld [smem:$0x3F9C];
	s0 =	simm.s32 @p1 $0x1  }
0x15: {  	[smem:$0x3FB9] =	sst s0;
	s0 =	simm.s32 @!p2 $0x0  }
0x16: {  	s3 =	sld [smem:$0x3FDB];
	s0 =	simm.s32 @p2 $0x1  }
0x17: {  	s4 =	simm.s32 $0x1BF5;
	[smem:$0x3FBB] =	sst s0  }
0x18: {  	s0 =	sld [smem:$0x3F9E];
	_ =	swait.ge [sflag:s4], $0x0  }
0x19: {  	s7 =	sld [smem:$0x3F9F]  }
0x1a: {  	s8 =	sadd.s32 $0xFFFFE003, lr  }
0x1b: {  	s9 =	sadd.s32 $0xFFFFFEF7, lr;
	s5 =	simm.s32 $0xFFFFFFFF;
	p2 =	slt.u32 s8, $0xFFFFF086  }
0x1c: {  	p1 =	slt.u32 s9, $0xF7A;
	s5 =	simm.s32 @!p2 $0x0  }
0x1d: {  	s5 =	simm.s32 @p1 $0x1;
	p0 =	seq.s32 s7, s2  }
0x1e: {  	s7 =	smul.u32 @!p0 $0xF7A, s2;
	p2 =	seq.s32 @!p0 s5, $0x0  }
0x1f: {  	s9 =	smul.u32 $0xF7A, s1;
	s8 =	simm.s32 @!p0 $0x1BF5;
	p2 =	por !p2, p0  }
0x20: {  	[sflag:s8] =	ssyncset.s32 @!p0 $0xFFFFF086;
	s6 =	sadd.s32 @!p0 s3, s7;
	s7 =	simm.s32 @!p0 $0x108  }
0x21: {  	s3 =	sadd.s32 s3, s9;
	s6 =	sadd.s32 @!p0 $0x88, s6;
	s7 =	simm.s32 @p2 $0x1082  }
0x22: {  	[simem:s7], [sflag:s8] =	dma.local @!p0 [hbm:s6], $0xF7A  }
0x23: {  	s9 =	sor.u32 $0xD0000000, s2;
	s6 =	simm.s32 $0x108;
	_ =	swait.ge @!p0 [sflag:s8], $0x0  }
0x24: {  	s3 =	sadd.s32 $0x88, s3;
	s6 =	simm.s32 @!p1 $0x1082;
	[sflag:s4] =	ssyncset.s32 $0xFFFFF086  }
0x25: {  	[simem:s6], [sflag:s4] =	dma.local [hbm:s3], $0xF7A  }
0x26: {  	[smem:$0x3F9F] =	sst s1;
	(tag) =	ssettag s2;
	_ =	strace s9  }
0x27: {  	s1 =	sld [smem:$0x3FAF]  }
0x28: {  	s2 =	sld [smem:$0x3FB0]  }
0x29: {  	s4 =	sld [smem:$0x3FB2]  }
0x2a: {  	p0 =	seq.s32 s5, $0x0;
	s5 =	sld [smem:$0x3FB3]  }
0x2b: {  	s6 =	sld [smem:$0x3FB4]  }
0x2c: {  	s7 =	sld [smem:$0x3FB5]  }
0x2d: {  	s3 =	simm.s32 $0x108;
	s8 =	sld [smem:$0x3FB6]  }
0x2e: {  	s3 =	simm.s32 @!p0 $0x1082;
	s9 =	sld [smem:$0x3FB7]  }
0x2f: {  	lr =	sadd.s32 s0, s3;
	s0 =	sld [smem:$0x3FAE]  }
0x30: {  	s3 =	sld [smem:$0x3FB1]  }
0x31: {  	[smem:$0x3FBA] =	sst s10  }
0x32: {  	s10 =	sld [smem:$0x3FB8];
	_ =	sdelay $0x3  }
0x33: {  	p0 =	seq.s32 s10, $0x1;
	s10 =	sld [smem:$0x3FBA];
	_ =	sdelay $0x3  }
0x34: {  	[smem:$0x3FBA] =	sst s10  }
0x35: {  	s10 =	sld [smem:$0x3FB9];
	_ =	sdelay $0x3  }
0x36: {  	p1 =	seq.s32 s10, $0x1;
	s10 =	sld [smem:$0x3FBA];
	_ =	sdelay $0x3  }
0x37: {  	[smem:$0x3FBA] =	sst s10  }
0x38: {  	s10 =	sld [smem:$0x3FBB]  }
0x39: {  	_ = 	snop;
	(pc) =	sbr.ind lr, $3  }
0x3a: {  	_ = 	snop  }
0x3b: {  	_ = 	snop  }
0x3c: {  	p2 =	seq.s32 s10, $0x1;
	s10 =	sld [smem:$0x3FBA]  }
0x3d: {  	_ =	shalt  }
0x3e: {  	_ =	shalt  }
0x3f: {  	_ =	shalt  }
0x40: {  	_ =	shalt  }
0x41: {  	_ =	shalt  }
0x42: {  	_ =	shalt  }
0x43: {  	_ =	shalt  }
0x44: {  	_ =	shalt  }
0x45: {  	_ =	shalt  }
0x46: {  	_ =	shalt  }
0x47: {  	_ =	shalt  }
0x48: {  	_ =	shalt  }
0x49: {  	_ =	shalt  }
0x4a: {  	_ =	shalt  }
0x4b: {  	_ =	shalt  }
0x4c: {  	_ =	shalt  }
0x4d: {  	_ =	shalt  }
0x4e: {  	_ =	shalt  }
0x4f: {  	_ =	shalt  }
0x50: {  	_ =	shalt  }
0x51: {  	_ =	shalt  }
0x52: {  	_ =	shalt  }
0x53: {  	_ =	shalt  }
0x54: {  	_ =	shalt  }
0x55: {  	_ =	shalt  }
0x56: {  	_ =	shalt  }
0x57: {  	_ =	shalt  }
0x58: {  	_ =	shalt  }
0x59: {  	_ =	shalt  }
0x5a: {  	_ =	shalt  }
0x5b: {  	_ =	shalt  }
0x5c: {  	_ =	shalt  }
0x5d: {  	_ =	shalt  }
0x5e: {  	_ =	shalt  }
0x5f: {  	_ =	shalt  }
0x60: {  	_ =	shalt  }
0x61: {  	_ =	shalt  }
0x62: {  	_ =	shalt  }
0x63: {  	_ =	shalt  }
0x64: {  	_ =	shalt  }
0x65: {  	_ =	shalt  }
0x66: {  	_ =	shalt  }
0x67: {  	_ =	shalt  }
0x68: {  	_ =	shalt  }
0x69: {  	_ =	shalt  }
0x6a: {  	_ =	shalt  }
0x6b: {  	_ =	shalt  }
0x6c: {  	_ =	shalt  }
0x6d: {  	_ =	shalt  }
0x6e: {  	_ =	shalt  }
0x6f: {  	_ =	shalt  }
0x70: {  	_ =	shalt  }
0x71: {  	_ =	shalt  }
0x72: {  	_ =	shalt  }
0x73: {  	_ =	shalt  }
0x74: {  	_ =	shalt  }
0x75: {  	_ =	shalt  }
0x76: {  	_ =	shalt  }
0x77: {  	_ =	shalt  }
0x78: {  	_ =	shalt  }
0x79: {  	_ =	shalt  }
0x7a: {  	_ =	shalt  }
0x7b: {  	_ =	shalt  }
0x7c: {  	_ =	shalt  }
0x7d: {  	_ =	shalt  }
0x7e: {  	_ =	shalt  }
0x7f: {  	_ =	shalt  }
0x80: {  	_ =	shalt  }
0x81: {  	_ =	shalt  }
0x82: {  	_ =	shalt  }
0x83: {  	_ =	shalt  }
0x84: {  	_ =	shalt  }
0x85: {  	_ =	shalt  }
0x86: {  	_ =	shalt  }
0x87: {  	_ =	shalt  }
.Lfunc_end0:
.L_simem_size_0:
called_computation.1_lowered:
.L_overlay_start_0:
0x88: {  	s2 =	sld [smem:$0x3FD9]  }
0x89: {  	s3 =	sld [smem:$0x3FFE];
	_ =	sdelay $0x1  }
0x8a: {  	s1 =	srdreg.scid  }
0x8b: {  	s0 =	sand.u32 $0x1, s1  }
0x8c: {  	s17 =	sshll.u32 s0, $0xA;
	s2 =	sadd.s32 s3, s2  }
0x8d: {  	s2 =	sadd.s32 s2, s17  }
0x8e: {  	[smem:$0x3FC6] =	sst s2  }
0x8f: {  	_ = 	snop  }
0x90: {  	s2 =	sld [smem:$0x3FD0];
	(tm) =	ssettm $0x1  }
0x91: {  	s18 =	sld [smem:$0x3FFB];
	_ =	sdelay $0x3  }
0x92: {  	_ =	strace s18  }
0x93: {  	s3 =	sld [smem:$0x3FFC];
	_ =	sdelay $0x3  }
0x94: {  	_ =	strace s3  }
0x95: {  	s3 =	sld [smem:$0x3FFD];
	_ =	sdelay $0x3  }
0x96: {  	_ =	strace s3  }
0x97: {  	_ =	strace $0x8FFFFFFF  }
0x98: {  	s19 =	sld [smem:$0x3FDB];
	_ =	sdelay $0x1  }
0x99: {  	s4 =	simm.s32 $_scs_section_size  }
0x9a: {  	s5 =	simm.s32 $_size__tile_overlayer_lowered;
	s6 =	simm.s32 $_tile_overlayer_lowered  }
0x9b: {  	s22 =	simm.s32 $0x1BFF;
	s21 =	sshll.u32 s6, $0x1;
	s3 =	sadd.s32 s4, s19  }
0x9c: {  	s7 =	simm.s32 $0x0;
	s20 =	sshll.u32 s5, $0x1;
	s5 =	sadd.s32 s21, s3  }
0x9d: {  	[timem:s7], [sflag:s22] =	dma.local [hbm:s5], s20  }
0x9e: {  	_ =	swait.ge [sflag:s22], s20  }
0x9f: {  	s4 =	ssub.s32 $0x0, s20;
	[sflag:s22] =	ssyncset.done $0x0  }
0xa0: {  	[sflag:s22] =	ssyncadd.s32 s4;
	_ =	sdelay $0x1  }
0xa1: {  	s23 =	simm.s32 $0x1B8B  }
0xa2: {  	_ =	swait.ge [sflag:s23], $0x1  }
0xa3: {  	[sflag:s23] =	ssyncset.done $0x0  }
0xa4: {  	s25 =	simm.s32 $0x1B8E;
	s24 =	sld [smem:$0x3FFE];
	[sflag:s23] =	ssyncadd.s32 $0xFFFFFFFF  }
0xa5: {  	s26 =	simm.s32 $execute0_lowered;
	[smem:$0x3FD2] =	sst s25  }
0xa6: {  	s5 =	sshll.u32 s26, $0x1;
	_ =	strace $0x80000049;
	[dreg:$0x1] =	wrdreg $0xFFFFFFFF  }
0xa7: {  	s28 =	simm.s32 $_size_execute0_lowered;
	s3 =	sadd.s32 s3, s5;
	[dreg:$0x0] =	wrdreg $0x0  }
0xa8: {  	s5 =	sshll.u32 s28, $0x1;
	[dreg:$0x2] =	wrdreg s3  }
0xa9: {  	[dreg:$0x3] =	wrdreg s5  }
0xaa: {  	[dreg:$0x4] =	wrdreg $0xC0  }
0xab: {  	_ =	task [dreg:s7], $0x5FFFF  }
0xac: {  	[dreg:$0x1] =	wrdreg $0xFFFFFFFF  }
0xad: {  	[dreg:$0x0] =	wrdreg $0x60  }
0xae: {  	[dreg:$0x2] =	wrdreg s2  }
0xaf: {  	[dreg:$0x3] =	wrdreg s24  }
0xb0: {  	[dreg:$0x4] =	wrdreg $0x9  }
0xb1: {  	_ =	task.clear_ibuf [dreg:s7], $0x5FFFF;
	_ =	strace $0x90000049  }
0xb2: {  	s29 =	simm.s32 $0x9;
	_ =	strace $0x8000004B  }
0xb3: {  	_ =	swait.ge [sflag:s29], $0x1  }
0xb4: {  	[sflag:s29] =	ssyncadd.s32 $0xFFFFFFFF  }
0xb5: {  	_ =	strace $0x9000004B  }
0xb6: {  	_ =	sfence  }
0xb7: {  	s30 =	sld [smem:$0x0];
	_ =	sdelay $0x2  }
0xb8: {  	s31 =	sshll.u32 s1, $0xD;
	s1 =	sshrl.u32 s1, $0x2  }
0xb9: {  	s3 =	sand.u32 $0x4000, s31;
	s1 =	sadd.s32 s1, s30  }
0xba: {  	s0 =	sor.u32 s3, s0;
	s1 =	sshll.u32 s1, $0x11  }
0xbb: {  	s0 =	sor.u32 s1, s0  }
0xbc: {  	s0 =	sadd.s32 $0x8F2B, s0  }
0xbd: {  	[sflag:s0] =	ssyncadd.remote.s32 $0x1  }
0xbe: {  	_ =	sfence.sel $0xFFFF  }
0xbf: {  	[dreg:$0x0] =	wrdreg $0xFFFFFFFF;
	(pc) =	sbr.abs _section_cstart, $3  }
0xc0: {  	[dreg:$0x1] =	wrdreg $0xFFFFFFFF  }
0xc1: {  	_ =	task.clear_ibuf [dreg:s7], $0x2FFFF;
	_ =	strace $0x9FFFFFFF  }
0xc2: {  	(tm) =	ssettm $0x7FFFFFFF  }
0xc3: {  	_ =	shalt  }
tec
execute0_lowered:
.L_overlay_start_1:
0x0: {  	(tag) =	ssettag $0x1  }
0x1: {  	s2 =	rddreg [dreg:$0x0]  }
0x2: {  	s0 =	rddreg [dreg:$0x1]  }
0x3: {  	s3 =	srdreg.scid;
	s1 =	stileid.u32;
	s13 =	simm.s32 $0x1  }
0x4: {  	s14 =	simm.s32 $0x2;
	s15 =	simm.s32 $0x3;
	s16 =	simm.s32 $0x4  }
0x5: {  	s17 =	simm.s32 $0x5;
	s18 =	simm.s32 $0x6;
	s19 =	simm.s32 $0x7  }
0x6: {  	s20 =	simm.s32 $0x8;
	s21 =	simm.s32 $0x0;
	s4 =	sand.u32 $0x1, s3  }
0x7: {  	s3 =	simm.s32 $0x0;
	s5 =	sshll.u32 s1, $0x14;
	s6 =	sshll.u32 s4, $0x13  }
0x8: {  	[smem:$0x7FF] =	sst s3;
	s7 =	ssub.s32 $0x2, s4;
	s4 =	sor.u32 s6, s5  }
0x9: {  	_ =	strace $0x8000004A;
	s30 =	sshrl.u32 s7, $0x1;
	s5 =	sadd.s32 $0x80A00, s0  }
0xa: {  	s8 =	sshrl.u32 s4, $0x3;
	s31 =	ssub.s32 s7, s30;
	s9 =	sor.u32 $0x6000, s4  }
0xb: {  	s10 =	sor.u32 $0x8000, s4;
	s11 =	sor.u32 $0xA000, s4;
	s6 =	sadd.s32 s2, s8  }
0xc: {  	s8 =	sor.u32 $0x4000, s4;
	s12 =	smax.u32 s31, $0x1;
	s7 =	sadd.s32 $0x400, s6  }
.LBB2_1:
0xd: {  	s22 =	simm.s32 $0x10  }
0xe: {  	s25 =	sadd.s32 $0x0, s6;
	s23 =	simm.s32 $0x200;
	s24 =	simm.s32 $0x0  }
.LBB2_2:
0xf: {  	[tilespmem:s24], [sflag:$0x1] =	stream.linear.gather [hbm4b:s25+s3], $0x80, $0x38;
	[tilespmem:$0x8000] =	vst v63  }
0x10: {  	s0 =	smov.u32 s22;
	s24 =	smov.u32 s23;
	p0 =	sne.s32 s22, $0x3F0  }
.Ltmp0:
0x11: {  	s22 =	sadd.s32 $0x10, s22;
	(pc) =	sbr.rel @p0 .LBB2_2-.Ltmp0, $2  }
0x12: {  	_ =	sdelay $0x2  }
0x13: {  	s23 =	sadd.s32 $0x200, s23;
	s25 =	sadd.s32 s0, s6  }
0x14: {  	[tilespmem:s24], [sflag:$0x1] =	stream.linear.gather [hbm4b:s25+s3], $0x80, $0x38;
	[tilespmem:$0x8000] =	vst v63  }
0x15: {  	s22 =	simm.s32 $0x0;
	s23 =	simm.s32 $0x80  }
0x16: {  	s24 =	simm.s32 $0x10;
	s26 =	sadd.s32 $0x0, s7;
	s25 =	simm.s32 $0x280  }
.LBB2_4:
0x17: {  	[tilespmem:s23], [sflag:$0x2] =	stream.linear.gather [hbm4b:s26+s22], $0x80, $0x38;
	[tilespmem:$0x8000] =	vst v63  }
0x18: {  	s0 =	smov.u32 s24;
	s23 =	smov.u32 s25;
	p0 =	sne.s32 s24, $0x3F0  }
.Ltmp1:
0x19: {  	s24 =	sadd.s32 $0x10, s24;
	(pc) =	sbr.rel @p0 .LBB2_4-.Ltmp1, $2  }
0x1a: {  	_ =	sdelay $0x2  }
0x1b: {  	s25 =	sadd.s32 $0x200, s25;
	s26 =	sadd.s32 s0, s7  }
0x1c: {  	[tilespmem:s23], [sflag:$0x2] =	stream.linear.gather [hbm4b:s26+s22], $0x80, $0x38;
	[tilespmem:$0x8000] =	vst v63  }
.LBB2_6:
0x1d: {  	p0 =	seq.s32 s22, $0x0;
	s23 =	sshll.u32 s22, $0xF  }
0x1e: {  	s0 =	simm.s32 @!p0 $0x7;
	s24 =	sadd.s32 s8, s23  }
0x1f: {  	s26 =	simm.s32 $0x100;
	_ =	swait.ge @!p0 [sflag:s0], $0x2000;
	s25 =	sshrl.u32 s24, $0x3  }
0x20: {  	s28 =	simm.s32 $0x10;
	[sflag:s0] =	ssyncset.done @!p0 $0x0;
	s24 =	sadd.s32 s2, s25  }
0x21: {  	s29 =	simm.s32 $0x300;
	[sflag:s0] =	ssyncadd.s32 @!p0 $0xFFFFE000;
	s30 =	sadd.s32 $0x0, s24  }
.LBB2_7:
0x22: {  	[tilespmem:s26], [sflag:$0x3] =	stream.linear.gather [hbm4b:s30+s3], $0x80, $0x38;
	[tilespmem:$0x8000] =	vst v63  }
0x23: {  	s0 =	smov.u32 s28;
	s26 =	smov.u32 s29;
	p1 =	sne.s32 s28, $0x3F0  }
.Ltmp2:
0x24: {  	s28 =	sadd.s32 $0x10, s28;
	(pc) =	sbr.rel @p1 .LBB2_7-.Ltmp2, $2  }
0x25: {  	_ =	sdelay $0x2  }
0x26: {  	s29 =	sadd.s32 $0x200, s29;
	s30 =	sadd.s32 s0, s24  }
0x27: {  	[tilespmem:s26], [sflag:$0x3] =	stream.linear.gather [hbm4b:s30+s3], $0x80, $0x38;
	[tilespmem:$0x8000] =	vst v63  }
0x28: {  	s0 =	sor.u32 s4, s23  }
0x29: {  	s28 =	simm.s32 $0x0;
	_ =	swait.ge [sflag:s13], $0x2000;
	s26 =	sshrl.u32 s0, $0x3  }
0x2a: {  	s29 =	simm.s32 $0x10;
	[sflag:s13] =	ssyncset.done $0x0;
	s24 =	sadd.s32 s5, s26  }
0x2b: {  	s30 =	simm.s32 $0x200;
	[sflag:s13] =	ssyncadd.s32 $0xFFFFE000;
	s31 =	sadd.s32 $0x0, s24  }
.LBB2_9:
0x2c: {  	[hbm4b:s31+s3] =	stream.linear.scatter [tilespmem:s28], [sflag:$0x5], $0x80, $0x38;
	[tilespmem:$0x8000] =	vst v63  }
0x2d: {  	s0 =	smov.u32 s29;
	s28 =	smov.u32 s30;
	p1 =	sne.s32 s29, $0x3F0  }
.Ltmp3:
0x2e: {  	s29 =	sadd.s32 $0x10, s29;
	(pc) =	sbr.rel @p1 .LBB2_9-.Ltmp3, $2  }
0x2f: {  	_ =	sdelay $0x2  }
0x30: {  	s30 =	sadd.s32 $0x200, s30;
	s31 =	sadd.s32 s0, s24  }
0x31: {  	[hbm4b:s31+s3] =	stream.linear.scatter [tilespmem:s28], [sflag:$0x5], $0x80, $0x38;
	[tilespmem:$0x8000] =	vst v63  }
0x32: {  	s0 =	simm.s32 @!p0 $0x8;
	s24 =	sadd.s32 s9, s23  }
0x33: {  	s29 =	simm.s32 $0x180;
	_ =	swait.ge @!p0 [sflag:s0], $0x2000;
	s24 =	sshrl.u32 s24, $0x3  }
0x34: {  	s30 =	simm.s32 $0x10;
	[sflag:s0] =	ssyncset.done @!p0 $0x0;
	s28 =	sadd.s32 s2, s24  }
0x35: {  	s31 =	simm.s32 $0x380;
	[sflag:s0] =	ssyncadd.s32 @!p0 $0xFFFFE000;
	s0 =	sadd.s32 $0x0, s28  }
.LBB2_11:
0x36: {  	[tilespmem:s29], [sflag:$0x4] =	stream.linear.gather [hbm4b:s0+s3], $0x80, $0x38;
	[tilespmem:$0x8000] =	vst v63  }
0x37: {  	s0 =	smov.u32 s30;
	s29 =	smov.u32 s31;
	p0 =	sne.s32 s30, $0x3F0  }
.Ltmp4:
0x38: {  	s30 =	sadd.s32 $0x10, s30;
	(pc) =	sbr.rel @p0 .LBB2_11-.Ltmp4, $2  }
0x39: {  	_ =	sdelay $0x2  }
0x3a: {  	s31 =	sadd.s32 $0x200, s31;
	s0 =	sadd.s32 s0, s28  }
0x3b: {  	[tilespmem:s29], [sflag:$0x4] =	stream.linear.gather [hbm4b:s0+s3], $0x80, $0x38;
	[tilespmem:$0x8000] =	vst v63  }
0x3c: {  	s31 =	sadd.s32 s26, s5;
	s28 =	simm.s32 $0x80;
	_ =	swait.ge [sflag:s14], $0x2000  }
0x3d: {  	s29 =	simm.s32 $0x10;
	s26 =	sadd.s32 $0x400, s31;
	[sflag:s14] =	ssyncset.done $0x0  }
0x3e: {  	s30 =	simm.s32 $0x280;
	s0 =	sadd.s32 $0x0, s26;
	[sflag:s14] =	ssyncadd.s32 $0xFFFFE000  }
.LBB2_13:
0x3f: {  	[hbm4b:s0+s3] =	stream.linear.scatter [tilespmem:s28], [sflag:$0x6], $0x80, $0x38;
	[tilespmem:$0x8000] =	vst v63  }
0x40: {  	s0 =	smov.u32 s29;
	s28 =	smov.u32 s30;
	p0 =	sne.s32 s29, $0x3F0  }
.Ltmp5:
0x41: {  	s29 =	sadd.s32 $0x10, s29;
	(pc) =	sbr.rel @p0 .LBB2_13-.Ltmp5, $2  }
0x42: {  	_ =	sdelay $0x2  }
0x43: {  	s30 =	sadd.s32 $0x200, s30;
	s0 =	sadd.s32 s0, s26  }
0x44: {  	p0 =	seq.s32 s22, $0xF  }
.Ltmp6:
0x45: {  	_ = 	snop;
	(pc) =	sbr.rel @p0 .LBB2_18-.Ltmp6, $2  }
0x46: {  	_ =	sdelay $0x2  }
0x47: {  	[hbm4b:s0+s3] =	stream.linear.scatter [tilespmem:s28], [sflag:$0x6], $0x80, $0x38;
	[tilespmem:$0x8000] =	vst v63  }
0x48: {  	s0 =	sadd.s32 s23, s10  }
0x49: {  	_ =	swait.ge [sflag:s17], $0x2000;
	s28 =	simm.s32 $0x0;
	s0 =	sshrl.u32 s0, $0x3  }
0x4a: {  	s29 =	simm.s32 $0x10;
	[sflag:s17] =	ssyncset.done $0x0;
	s26 =	sadd.s32 s2, s0  }
0x4b: {  	s30 =	simm.s32 $0x200;
	[sflag:s17] =	ssyncadd.s32 $0xFFFFE000;
	s0 =	sadd.s32 $0x0, s26  }
.LBB2_16:
0x4c: {  	[tilespmem:s28], [sflag:$0x1] =	stream.linear.gather [hbm4b:s0+s3], $0x80, $0x38;
	[tilespmem:$0x8000] =	vst v63  }
0x4d: {  	s0 =	smov.u32 s29;
	s28 =	smov.u32 s30;
	p1 =	sne.s32 s29, $0x3F0  }
.Ltmp7:
0x4e: {  	s29 =	sadd.s32 $0x10, s29;
	(pc) =	sbr.rel @p1 .LBB2_16-.Ltmp7, $2  }
0x4f: {  	_ =	sdelay $0x2  }
0x50: {  	s30 =	sadd.s32 $0x200, s30;
	s0 =	sadd.s32 s0, s26  }
0x51: {  	[tilespmem:s28], [sflag:$0x1] =	stream.linear.gather [hbm4b:s0+s3], $0x80, $0x38;
	[tilespmem:$0x8000] =	vst v63  }
.LBB2_18:
0x52: {  	_ =	swait.ge [sflag:s15], $0x2000;
	s25 =	sadd.s32 s5, s25  }
0x53: {  	s26 =	simm.s32 $0x100;
	s28 =	simm.s32 $0x10;
	[sflag:s15] =	ssyncset.done $0x0  }
0x54: {  	s29 =	simm.s32 $0x300;
	s0 =	sadd.s32 $0x0, s25;
	[sflag:s15] =	ssyncadd.s32 $0xFFFFE000  }
.LBB2_19:
0x55: {  	[hbm4b:s0+s3] =	stream.linear.scatter [tilespmem:s26], [sflag:$0x7], $0x80, $0x38;
	[tilespmem:$0x8000] =	vst v63  }
0x56: {  	s0 =	smov.u32 s28;
	s26 =	smov.u32 s29;
	p1 =	sne.s32 s28, $0x3F0  }
.Ltmp8:
0x57: {  	s28 =	sadd.s32 $0x10, s28;
	(pc) =	sbr.rel @p1 .LBB2_19-.Ltmp8, $2  }
0x58: {  	_ =	sdelay $0x2  }
0x59: {  	s29 =	sadd.s32 $0x200, s29;
	s0 =	sadd.s32 s0, s25  }
.Ltmp9:
0x5a: {  	(pc) =	sbr.rel @p0 .LBB2_24-.Ltmp9, $2  }
0x5b: {  	_ =	sdelay $0x2  }
0x5c: {  	[hbm4b:s0+s3] =	stream.linear.scatter [tilespmem:s26], [sflag:$0x7], $0x80, $0x38;
	[tilespmem:$0x8000] =	vst v63  }
0x5d: {  	s0 =	sadd.s32 s23, s11  }
0x5e: {  	_ =	swait.ge [sflag:s18], $0x2000;
	s25 =	simm.s32 $0x80;
	s0 =	sshrl.u32 s0, $0x3  }
0x5f: {  	s26 =	simm.s32 $0x10;
	[sflag:s18] =	ssyncset.done $0x0;
	s23 =	sadd.s32 s2, s0  }
0x60: {  	s28 =	simm.s32 $0x280;
	[sflag:s18] =	ssyncadd.s32 $0xFFFFE000;
	s0 =	sadd.s32 $0x0, s23  }
.LBB2_22:
0x61: {  	[tilespmem:s25], [sflag:$0x2] =	stream.linear.gather [hbm4b:s0+s3], $0x80, $0x38;
	[tilespmem:$0x8000] =	vst v63  }
0x62: {  	s0 =	smov.u32 s26;
	s25 =	smov.u32 s28;
	p0 =	sne.s32 s26, $0x3F0  }
.Ltmp10:
0x63: {  	s26 =	sadd.s32 $0x10, s26;
	(pc) =	sbr.rel @p0 .LBB2_22-.Ltmp10, $2  }
0x64: {  	_ =	sdelay $0x2  }
0x65: {  	s28 =	sadd.s32 $0x200, s28;
	s0 =	sadd.s32 s0, s23  }
0x66: {  	[tilespmem:s25], [sflag:$0x2] =	stream.linear.gather [hbm4b:s0+s3], $0x80, $0x38;
	[tilespmem:$0x8000] =	vst v63  }
.LBB2_24:
0x67: {  	_ =	swait.ge [sflag:s16], $0x2000;
	s23 =	sadd.s32 s5, s24  }
0x68: {  	s24 =	simm.s32 $0x180;
	s25 =	simm.s32 $0x10;
	[sflag:s16] =	ssyncset.done $0x0  }
0x69: {  	s26 =	simm.s32 $0x380;
	s0 =	sadd.s32 $0x0, s23;
	[sflag:s16] =	ssyncadd.s32 $0xFFFFE000  }
.LBB2_25:
0x6a: {  	[hbm4b:s0+s3] =	stream.linear.scatter [tilespmem:s24], [sflag:$0x8], $0x80, $0x38;
	[tilespmem:$0x8000] =	vst v63  }
0x6b: {  	s0 =	smov.u32 s25;
	s24 =	smov.u32 s26;
	p0 =	sne.s32 s25, $0x3F0  }
.Ltmp11:
0x6c: {  	s25 =	sadd.s32 $0x10, s25;
	(pc) =	sbr.rel @p0 .LBB2_25-.Ltmp11, $2  }
0x6d: {  	_ =	sdelay $0x2  }
0x6e: {  	s26 =	sadd.s32 $0x200, s26;
	s0 =	sadd.s32 s0, s23  }
0x6f: {  	s22 =	sadd.s32 $0x1, s22  }
0x70: {  	p0 =	sne.s32 s22, $0x10  }
.Ltmp12:
0x71: {  	_ = 	snop;
	(pc) =	sbr.rel @p0 .LBB2_6-.Ltmp12, $2  }
0x72: {  	_ =	sdelay $0x2  }
0x73: {  	[hbm4b:s0+s3] =	stream.linear.scatter [tilespmem:s24], [sflag:$0x8], $0x80, $0x38;
	[tilespmem:$0x8000] =	vst v63  }
0x74: {  	_ =	swait.ge [sflag:s17], $0x2000  }
0x75: {  	[sflag:s17] =	ssyncset.done $0x0  }
0x76: {  	[sflag:s17] =	ssyncadd.s32 $0xFFFFE000  }
0x77: {  	_ =	swait.ge [sflag:s18], $0x2000  }
0x78: {  	[sflag:s18] =	ssyncset.done $0x0  }
0x79: {  	s21 =	sadd.s32 $0x1, s21;
	[sflag:s18] =	ssyncadd.s32 $0xFFFFE000  }
0x7a: {  	p0 =	sne.s32 s21, s12;
	_ =	swait.ge [sflag:s19], $0x2000  }
.Ltmp13:
0x7b: {  	[sflag:s19] =	ssyncset.done $0x0;
	(pc) =	sbr.rel @p0 .LBB2_1-.Ltmp13, $4  }
0x7c: {  	[sflag:s19] =	ssyncadd.s32 $0xFFFFE000  }
0x7d: {  	_ =	swait.ge [sflag:s20], $0x2000  }
0x7e: {  	[sflag:s20] =	ssyncset.done $0x0  }
0x7f: {  	[sflag:s20] =	ssyncadd.s32 $0xFFFFE000  }
0x80: {  	_ =	sfence.sel $0x180000  }
0x81: {  	[bflag:$0x0] =	sbarrier.arrive $0xFFFF  }
0x82: {  	_ =	strace $0x9000004A  }
0x83: {  	[bflag:$0x2] =	sbarrier.arrive $0xFFFF  }
0x84: {  	p0 =	sne.s32 s1, $0x0;
	s0 =	rddreg [dreg:$0x2]  }
0x85: {  	s0 =	sadd.s32 @!p0 $0x100000, s0  }
0x86: {  	[sflag:s0] =	ssyncadd.tile.s32 @!p0 $0x1;
	_ =	shalt  }
.Lfunc_end2:
_tile_overlayer_lowered:
.L_overlay_start_2:
0x87: {  	(tag) =	ssettag $0x2  }
0x88: {  	s0 =	rddreg [dreg:$0x0];
	s2 =	stileid.u32  }
0x89: {  	s1 =	rddreg [dreg:$0x1];
	p0 =	sne.s32 s2, $0x0  }
0x8a: {  	s3 =	rddreg [dreg:$0x2];
	[bflag:$0x3] =	sbarrier.arrive $0xFFFF;
	s2 =	simm.s32 @!p0 $0x1C09  }
0x8b: {  	[timem:s3], [sflag:s2] =	dma.local @!p0 [hbm:s0], s1  }
0x8c: {  	s0 =	simm.s32 @!p0 $0x9  }
0x8d: {  	_ =	swait.ge @!p0 [sflag:s0], s1  }
0x8e: {  	s1 =	ssub.s32 @!p0 $0x0, s1;
	[sflag:s0] =	ssyncset.done @!p0 $0x0  }
0x8f: {  	[sflag:s0] =	ssyncadd.s32 @!p0 s1  }
0x90: {  	[bflag:$0x3] =	sbarrier.arrive $0xFFFF  }
0x91: {  	_ =	shalt  }

// kernel: sparse-core-data-format-call.cloned.1.call-start
scs
called_computation_lowered:
.L_overlay_start_0:
0x0: {  	s2 =	sld [smem:$0x3FD9]  }
0x1: {  	s3 =	sld [smem:$0x3FFE];
	_ =	sdelay $0x1  }
0x2: {  	s1 =	srdreg.scid  }
0x3: {  	s0 =	sand.u32 $0x1, s1  }
0x4: {  	s19 =	sshll.u32 s0, $0xA;
	s2 =	sadd.s32 s3, s2  }
0x5: {  	s2 =	sadd.s32 s2, s19  }
0x6: {  	[smem:$0x3FC6] =	sst s2  }
0x7: {  	_ = 	snop  }
0x8: {  	s2 =	sld [smem:$0x3FC9]  }
0x9: {  	s20 =	sld [smem:$0x3FD0];
	(tm) =	ssettm $0x1  }
0xa: {  	s4 =	sld [smem:$0x3FFB];
	_ =	sdelay $0x3  }
0xb: {  	_ =	strace s4  }
0xc: {  	s4 =	sld [smem:$0x3FFC];
	_ =	sdelay $0x3  }
0xd: {  	_ =	strace s4  }
0xe: {  	s4 =	sld [smem:$0x3FFD];
	_ =	sdelay $0x3  }
0xf: {  	_ =	strace s4  }
0x10: {  	_ =	strace $0x8FFFFFFF  }
0x11: {  	s21 =	sld [smem:$0x3FDB];
	_ =	sdelay $0x1  }
0x12: {  	s5 =	simm.s32 $_scs_section_size  }
0x13: {  	s6 =	simm.s32 $_size__tile_overlayer_lowered;
	s7 =	simm.s32 $_tile_overlayer_lowered  }
0x14: {  	s24 =	simm.s32 $0x1BFF;
	s23 =	sshll.u32 s7, $0x1;
	s4 =	sadd.s32 s5, s21  }
0x15: {  	s8 =	simm.s32 $0x0;
	s22 =	sshll.u32 s6, $0x1;
	s6 =	sadd.s32 s23, s4  }
0x16: {  	[timem:s8], [sflag:s24] =	dma.local [hbm:s6], s22  }
0x17: {  	_ =	swait.ge [sflag:s24], s22  }
0x18: {  	s5 =	ssub.s32 $0x0, s22;
	[sflag:s24] =	ssyncset.done $0x0  }
0x19: {  	[sflag:s24] =	ssyncadd.s32 s5;
	_ =	sdelay $0x1  }
0x1a: {  	s25 =	simm.s32 $0x1B8B  }
0x1b: {  	_ =	swait.ge [sflag:s25], $0x1  }
0x1c: {  	[sflag:s25] =	ssyncset.done $0x0  }
0x1d: {  	s26 =	simm.s32 $0x1B8E;
	[sflag:s25] =	ssyncadd.s32 $0xFFFFFFFF  }
0x1e: {  	s27 =	simm.s32 $execute0_lowered;
	[smem:$0x3FD2] =	sst s26  }
0x1f: {  	s5 =	sshll.u32 s27, $0x1;
	_ =	strace $0x80000046;
	[dreg:$0x1] =	wrdreg $0xFFFFFFFF  }
0x20: {  	s28 =	simm.s32 $_size_execute0_lowered;
	s4 =	sadd.s32 s4, s5;
	[dreg:$0x0] =	wrdreg $0x0  }
0x21: {  	s5 =	sshll.u32 s28, $0x1;
	[dreg:$0x2] =	wrdreg s4  }
0x22: {  	[dreg:$0x3] =	wrdreg s5  }
0x23: {  	[dreg:$0x4] =	wrdreg $0xC0  }
0x24: {  	_ =	task [dreg:s8], $0x5FFFF  }
0x25: {  	[dreg:$0x1] =	wrdreg $0xFFFFFFFF  }
0x26: {  	[dreg:$0x0] =	wrdreg $0x60  }
0x27: {  	[dreg:$0x2] =	wrdreg s2  }
0x28: {  	[dreg:$0x3] =	wrdreg s20  }
0x29: {  	[dreg:$0x4] =	wrdreg $0x9  }
0x2a: {  	_ =	task.clear_ibuf [dreg:s8], $0x5FFFF;
	_ =	strace $0x90000046  }
0x2b: {  	s29 =	simm.s32 $0x9;
	_ =	strace $0x80000048  }
0x2c: {  	_ =	swait.ge [sflag:s29], $0x1  }
0x2d: {  	[sflag:s29] =	ssyncadd.s32 $0xFFFFFFFF  }
0x2e: {  	_ =	strace $0x90000048  }
0x2f: {  	_ =	sfence  }
0x30: {  	s30 =	sld [smem:$0x0];
	_ =	sdelay $0x2  }
0x31: {  	s31 =	sshll.u32 s1, $0xD;
	s1 =	sshrl.u32 s1, $0x2  }
0x32: {  	s3 =	sand.u32 $0x4000, s31;
	s1 =	sadd.s32 s1, s30  }
0x33: {  	s0 =	sor.u32 s3, s0;
	s1 =	sshll.u32 s1, $0x11  }
0x34: {  	s0 =	sor.u32 s1, s0  }
0x35: {  	s0 =	sadd.s32 $0x8F2B, s0  }
0x36: {  	[sflag:s0] =	ssyncadd.remote.s32 $0x1  }
0x37: {  	_ =	sfence.sel $0xFFFF  }
0x38: {  	[dreg:$0x0] =	wrdreg $0xFFFFFFFF;
	(pc) =	sbr.abs _section_cstart, $3  }
0x39: {  	[dreg:$0x1] =	wrdreg $0xFFFFFFFF  }
0x3a: {  	_ =	task.clear_ibuf [dreg:s8], $0x2FFFF;
	_ =	strace $0x9FFFFFFF  }
0x3b: {  	(tm) =	ssettm $0x7FFFFFFF  }
tec
execute0_lowered:
.L_overlay_start_1:
0x0: {  	(tag) =	ssettag $0x1  }
0x1: {  	s0 =	srdreg.scid  }
0x2: {  	s1 =	sshll.u32 s0, $0x4  }
0x3: {  	s2 =	rddreg [dreg:$0x0];
	s0 =	stileid.u32;
	s1 =	sand.u32 $0x10, s1  }
0x4: {  	s4 =	rddreg [dreg:$0x1];
	s1 =	sor.u32 s0, s1  }
0x5: {  	s7 =	simm.s32 $0x1;
	s8 =	simm.s32 $0x2;
	s3 =	sshll.u32 s1, $0x1  }
0x6: {  	s9 =	simm.s32 $0x0;
	s12 =	simm.s32 $0x0;
	s6 =	ssub.s32 $0x800, s3  }
.Ltmp0:
0x7: {  	s11 =	simm.s32 $0x0;
	s5 =	sand.u32 $0x3E, s6;
	(pc) =	sbr.rel .LBB1_1-.Ltmp0, $4  }
0x8: {  	s1 =	rddreg [dreg:$0x2];
	_ =	strace $0x80000047;
	p0 =	sne.s32 s5, $0x0  }
0x9: {  	s6 =	sshrl.u32 s6, $0x6;
	s5 =	simm.s32 $0x1;
	s7 =	simm.s32 @!p0 $0x0  }
0xa: {  	s10 =	smov.u32 s3;
	[sflag:s5] =	ssyncpa.u1 $0x0;
	s6 =	sadd.s32 s7, s6  }
0xb: {  	[sflag:s8] =	ssyncpa.u1 $0x0;
	s8 =	simm.s32 $0x0;
	s7 =	sadd.s32 $0x1, s6  }
.LBB1_9:
0xc: {  	s14 =	sadd.s32 $0x40, s10  }
0xd: {  	p1 =	sgt.s32 s14, $0x7FF  }
0xe: {  	s14 =	smov.u32 @p1 s3;
	p1 =	sne.s32 s11, s7  }
.Ltmp1:
0xf: {  	p0 =	slt.u32 s11, $0x2;
	(pc) =	sbr.rel @!p1 .LBB1_10-.Ltmp1, $4  }
0x10: {  	s13 =	simm.s32 @!p0 $0x2  }
0x11: {  	s15 =	sadd.s32 $0x1, s11;
	_ =	swait.ge @!p0 [sflag:s13], $0x4000  }
0x12: {  	s12 =	smov.u32 s10;
	s9 =	sadd.s32 $0x4000, s9;
	[sflag:s13] =	ssyncset.done @!p0 $0x0  }
0x13: {  	s11 =	smov.u32 s15;
	s10 =	smov.u32 s14;
	[sflag:s13] =	ssyncadd.s32 @!p0 $0xFFFFC000  }
.LBB1_1:
0x14: {  	p0 =	sge.u32 s11, s6  }
0x15: {  	s13 =	sxor.u32 @!p0 $0xFFFFFFFF, s11  }
0x16: {  	s31 =	sadd.s32 $0xFFFFFFFF, s11;
	s14 =	sshll.u32 @!p0 s10, $0xA;
	s13 =	sshll.u32 @!p0 s13, $0xE  }
0x17: {  	s15 =	simm.s32 @!p0 $0x0;
	s14 =	sadd.s32 @!p0 s2, s14;
	s13 =	sand.u32 @!p0 $0x4000, s13  }
0x18: {  	[tilespmem:s13], [sflag:$0x1] =	stream.linear.gather @!p0 [hbm4b:s14+s15], $0x4000, $0x38;
	[tilespmem:$0x10000] =	vst v63  }
0x19: {  	p0 =	sge.u32 s31, s6  }
.Ltmp2:
0x1a: {  	_ = 	snop;
	(pc) =	sbr.rel @p0 .LBB1_9-.Ltmp2, $1  }
0x1b: {  	_ =	sdelay $0x3  }
0x1c: {  	s13 =	sshll.u32 s9, $0x2  }
0x1d: {  	_ =	swait.ge [sflag:s5], $0x4000;
	s14 =	sshll.u32 s11, $0xE;
	s16 =	simm.s32 $0x0  }
0x1e: {  	p1 =	por $0x1, $0x1;
	s13 =	sand.u32 $0x10000, s13;
	[sflag:s5] =	ssyncset.done $0x0  }
0x1f: {  	s14 =	sand.u32 $0x4000, s14;
	s15 =	sshrl.u32 s13, $0x2;
	[sflag:s5] =	ssyncadd.s32 $0xFFFFC000  }
0x20: {  	s13 =	sor.u32 $0x8000, s14;
	s14 =	sadd.s32 $0x8040, s15;
	s15 =	sadd.s32 $0x40, s15  }
.LBB1_3:
0x21: {  	s16 =	sshll.u32 s16, $0x2  }
0x22: {  	p0 =	por p1, p1;
	s17 =	sshra.s32 s16, $0x2  }
0x23: {  	s18 =	simm.s32 $0x0;
	s16 =	sadd.s32 s17, s14;
	s17 =	sadd.s32 s17, s15  }
.LBB1_4:
0x24: {  	v0 =	vmov s17;
	_ =	sdelay $0x3  }
0x25: {  	s20 =	simm.s32 $0x0  }
0x26: {  	v6 =	vld.idx.msk [tilespmem:v0+s20+$0x30 ss:$0x1], $0xffff  }
0x27: {  	v7 =	vld.idx.msk [tilespmem:v0+s20+$0xFFFFFFC0 ss:$0x1], $0xffff  }
0x28: {  	v5 =	vld.idx.msk [tilespmem:v0+s20+$0xFFFFFFD0 ss:$0x1], $0xffff  }
0x29: {  	v4 =	vld.idx.msk [tilespmem:v0+s20+$0xFFFFFFE0 ss:$0x1], $0xffff  }
0x2a: {  	v3 =	vld.idx.msk [tilespmem:v0+s20+$0xFFFFFFF0 ss:$0x1], $0xffff  }
0x2b: {  	v1 =	vld.idx.msk [tilespmem:v0+s20+$0x0 ss:$0x1], $0xffff  }
0x2c: {  	v2 =	vld.idx.msk [tilespmem:v0+s20+$0x10 ss:$0x1], $0xffff;
	[tilespmem:s16+$0x30] =	vst v6  }
0x2d: {  	s19 =	simm.s32 $0x80;
	s21 =	simm.s32 $0x400;
	[tilespmem:s16+$0xFFFFFFC0] =	vst v7;
	v6 =	vld.idx.msk [tilespmem:v0+s20+$0x20 ss:$0x1], $0xffff;
	s20 =	smov.u32 s16  }
.LBB1_5:
0x2e: {  	p1 =	sne.s32 s21, $0xE00;
	v7 =	vld.idx.msk [tilespmem:v0+s19+$0x30 ss:$0x1], $0xffff;
	[tilespmem:s20+$0xFFFFFFD0] =	vst v5  }
0x2f: {  	v8 =	vld.idx.msk [tilespmem:v0+s19+$0xFFFFFFC0 ss:$0x1], $0xffff;
	[tilespmem:s20+$0xFFFFFFE0] =	vst v4  }
0x30: {  	v5 =	vld.idx.msk [tilespmem:v0+s19+$0xFFFFFFD0 ss:$0x1], $0xffff;
	[tilespmem:s20+$0xFFFFFFF0] =	vst v3  }
.Ltmp3:
0x31: {  	v4 =	vld.idx.msk [tilespmem:v0+s19+$0xFFFFFFE0 ss:$0x1], $0xffff;
	[tilespmem:s20+$0x0] =	vst v1;
	(pc) =	sbr.rel @p1 .LBB1_5-.Ltmp3, $4  }
0x32: {  	v3 =	vld.idx.msk [tilespmem:v0+s19+$0xFFFFFFF0 ss:$0x1], $0xffff;
	[tilespmem:s20+$0x10] =	vst v2  }
0x33: {  	v1 =	vld.idx.msk [tilespmem:v0+s19+$0x0 ss:$0x1], $0xffff;
	[tilespmem:s20+$0x20] =	vst v6;
	s20 =	sadd.s32 $0x400, s20  }
0x34: {  	v2 =	vld.idx.msk [tilespmem:v0+s19+$0x10 ss:$0x1], $0xffff;
	[tilespmem:s20+$0x30] =	vst v7  }
0x35: {  	[tilespmem:s20+$0xFFFFFFC0] =	vst v8;
	v6 =	vld.idx.msk [tilespmem:v0+s19+$0x20 ss:$0x1], $0xffff;
	s19 =	sshra.s32 s21, $0x2;
	s21 =	sadd.s32 $0x200, s21  }
0x36: {  	_ =	sdelay $0x2  }
0x37: {  	[tilespmem:s20+$0xFFFFFFD0] =	vst v5  }
0x38: {  	v56 =	vld.idx.msk [tilespmem:v0+s19+$0x30 ss:$0x1], $0xffff;
	[tilespmem:s20+$0xFFFFFFE0] =	vst v4  }
0x39: {  	v57 =	vld.idx.msk [tilespmem:v0+s19+$0xFFFFFFC0 ss:$0x1], $0xffff;
	[tilespmem:s20+$0xFFFFFFF0] =	vst v3  }
0x3a: {  	v58 =	vld.idx.msk [tilespmem:v0+s19+$0xFFFFFFD0 ss:$0x1], $0xffff;
	[tilespmem:s20+$0x0] =	vst v1  }
0x3b: {  	v59 =	vld.idx.msk [tilespmem:v0+s19+$0xFFFFFFE0 ss:$0x1], $0xffff;
	[tilespmem:s20+$0x10] =	vst v2  }
0x3c: {  	v60 =	vld.idx.msk [tilespmem:v0+s19+$0xFFFFFFF0 ss:$0x1], $0xffff;
	s31 =	sadd.s32 $0x400, s20;
	[tilespmem:s20+$0x20] =	vst v6  }
0x3d: {  	v61 =	vld.idx.msk [tilespmem:v0+s19+$0x0 ss:$0x1], $0xffff;
	[tilespmem:s31+$0x30] =	vst v56  }
0x3e: {  	v62 =	vld.idx.msk [tilespmem:v0+s19+$0x10 ss:$0x1], $0xffff;
	s18 =	sadd.s32 $0x1, s18;
	[tilespmem:s31+$0xFFFFFFC0] =	vst v57  }
0x3f: {  	v63 =	vld.idx.msk [tilespmem:v0+s19+$0x20 ss:$0x1], $0xffff;
	p1 =	sne.s32 s18, $0x8;
	[tilespmem:s31+$0xFFFFFFD0] =	vst v58  }
.Ltmp4:
0x40: {  	[tilespmem:s31+$0xFFFFFFE0] =	vst v59;
	(pc) =	sbr.rel @p1 .LBB1_4-.Ltmp4, $4  }
0x41: {  	[tilespmem:s31+$0xFFFFFFF0] =	vst v60  }
0x42: {  	[tilespmem:s31+$0x0] =	vst v61  }
0x43: {  	[tilespmem:s31+$0x10] =	vst v62  }
0x44: {  	s16 =	sadd.s32 $0x80, s16;
	s17 =	sadd.s32 $0x400, s17;
	[tilespmem:s31+$0x20] =	vst v63  }
.Ltmp5:
0x45: {  	(pc) =	sbr.rel @p0 .LBB1_3-.Ltmp5, $2  }
0x46: {  	_ =	sdelay $0x2  }
0x47: {  	s16 =	simm.s32 $0x2000;
	p1 =	por $0x0, $0x0  }
.Ltmp6:
0x48: {  	(pc) =	sbr.rel .LBB1_9-.Ltmp6, $4  }
0x49: {  	_ = 	snop  }
0x4a: {  	s12 =	sshll.u32 s12, $0xA  }
0x4b: {  	s12 =	sadd.s32 s4, s12  }
0x4c: {  	[hbm4b:s12+s8] =	stream.linear.scatter [tilespmem:s13], [sflag:$0x2], $0x4000, $0x38;
	[tilespmem:$0x10000] =	vst v63  }
.LBB1_10:
0x4d: {  	_ =	sfence.sel $0x180000  }
0x4e: {  	s2 =	simm.s32 $0x1;
	[bflag:$0x0] =	sbarrier.arrive $0xFFFF  }
0x4f: {  	s31 =	simm.s32 $0x2;
	[sflag:s2] =	ssyncpa.u1 $0x1  }
0x50: {  	[sflag:s31] =	ssyncpa.u1 $0x1  }
0x51: {  	p0 =	sne.s32 s0, $0x0;
	_ =	strace $0x90000047  }
0x52: {  	s0 =	sadd.s32 @!p0 $0x100000, s1;
	[bflag:$0x2] =	sbarrier.arrive $0xFFFF  }
0x53: {  	[sflag:s0] =	ssyncadd.tile.s32 @!p0 $0x1;
	_ =	shalt  }
.Lfunc_end1:
_tile_overlayer_lowered:
.L_overlay_start_2:
0x54: {  	(tag) =	ssettag $0x2  }
0x55: {  	s0 =	rddreg [dreg:$0x0];
	s2 =	stileid.u32  }
0x56: {  	s1 =	rddreg [dreg:$0x1];
	p0 =	sne.s32 s2, $0x0  }
0x57: {  	s3 =	rddreg [dreg:$0x2];
	[bflag:$0x3] =	sbarrier.arrive $0xFFFF;
	s2 =	simm.s32 @!p0 $0x1C01  }
0x58: {  	[timem:s3], [sflag:s2] =	dma.local @!p0 [hbm:s0], s1  }
0x59: {  	s0 =	simm.s32 @!p0 $0x1  }
0x5a: {  	_ =	swait.ge @!p0 [sflag:s0], s1  }
0x5b: {  	s1 =	ssub.s32 @!p0 $0x0, s1;
	[sflag:s0] =	ssyncset.done @!p0 $0x0  }
0x5c: {  	[sflag:s0] =	ssyncadd.s32 @!p0 s1  }
0x5d: {  	[bflag:$0x3] =	sbarrier.arrive $0xFFFF  }
0x5e: {  	_ =	shalt  }

</sc_bundles>
